<compile_context>
chip_gen: v7x
topology: tpu7x:2x2x1
jax: 0.10.2.dev20260603
libtpu: 0.0.44.dev20260713+nightly
codegen_flags: <defaults>
</compile_context>

<pallas_src>
import functools

import jax
import jax.numpy as jnp
from jax import lax
from jax.experimental import pallas as pl
from jax.experimental.pallas import tpu as pltpu
from jax.experimental.pallas import tpu_sc as plsc

N = 10000
E = 320000
D = 128
EMB = 64
HID = 64
R = 3
B = 100
NODE_ALLY = 0

NC = 2
NS = 16
EPT = E // NS
K = 80
C = EPT // K
NP = 10240
RPT = NP // NS
W2C = 2 * EMB
_SCALE = 512.0
_NBUF = 10
_VL = 16


_BNA = 2000


def _proj_body(x_ref, ww_ref, wv_ref, o_ref):
    x = x_ref[...]
    for r in range(R):
        yw = jnp.dot(x, ww_ref[r], preferred_element_type=jnp.float32)
        yv = jnp.dot(x, wv_ref[r], preferred_element_type=jnp.float32)
        y = jnp.concatenate([yw, yv], axis=1) * _SCALE
        o_ref[r] = jnp.round(y).astype(jnp.int16)


def _project(x, wrw, wrv):
    full = lambda *s: pl.BlockSpec(s, lambda i: tuple(0 for _ in s))
    return pl.pallas_call(
        _proj_body,
        grid=(N // _BNA,),
        in_specs=[
            pl.BlockSpec((_BNA, D), lambda i: (i, 0)),
            full(R, D, EMB),
            full(R, D, EMB),
        ],
        out_specs=pl.BlockSpec((R, _BNA, W2C), lambda i: (0, i, 0)),
        out_shape=jax.ShapeDtypeStruct((R, N, W2C), jnp.int16),
    )(x, wrw, wrv)


def _edge_body(yc, src, dst3, et, zz, out, sv, ev, dv, bufs, msum, sems):
    cid = lax.axis_index("c")
    sid = lax.axis_index("s")
    pltpu.sync_copy(src.at[pl.ds(sid * EPT, EPT)], sv)
    pltpu.sync_copy(et.at[pl.ds(sid * EPT, EPT)], ev)
    pltpu.sync_copy(dst3.at[sid], dv)
    pltpu.sync_copy(zz.at[pl.ds(sid * RPT, RPT)],
                    msum.at[pl.ds(sid * RPT, RPT)])

    gsz = _NBUF * K

    def mkidx(i, carry):
        sl = pl.ds(i * _VL, _VL)
        sv[sl] = (ev[sl] * N + sv[sl]) * 2 + cid
        return carry

    lax.fori_loop(0, gsz // _VL, mkidx, 0)
    plsc.subcore_barrier()

    ngroups = C // _NBUF

    def group(g, carry):
        base = g * gsz
        descs = [
            pltpu.async_copy(yc.at[sv.at[pl.ds(base + b * K, K)]],
                             bufs[b], sems[b])
            for b in range(_NBUF)
        ]
        nxt = lax.rem(g + 1, ngroups) * (gsz // _VL)
        lax.fori_loop(nxt, nxt + gsz // _VL, mkidx, 0)
        for b in range(_NBUF):
            descs[b].wait()
            pltpu.sync_copy(bufs[b], msum.at[dv.at[g * _NBUF + b]], add=True)
        return carry

    lax.fori_loop(0, ngroups, group, 0)
    plsc.subcore_barrier()
    pltpu.sync_copy(msum.at[pl.ds(sid * RPT, RPT)],
                    out.at[cid, pl.ds(sid * RPT, RPT)])


@functools.cache
def _make_edge_agg():
    return functools.partial(
        pl.kernel,
        out_type=jax.ShapeDtypeStruct((NC, NP, EMB), jnp.int16),
        mesh=plsc.VectorSubcoreMesh(core_axis_name="c", subcore_axis_name="s",
                                    num_cores=NC, num_subcores=NS),
        scratch_types=[
            pltpu.VMEM((EPT,), jnp.int32),
            pltpu.VMEM((EPT,), jnp.int32),
            pltpu.VMEM((C, K), jnp.int32),
            [pltpu.VMEM((K, EMB), jnp.int16) for _ in range(_NBUF)],
            pltpu.VMEM_SHARED((NP, EMB), jnp.int16),
            [pltpu.SemaphoreType.DMA for _ in range(_NBUF)],
        ],
        compiler_params=pltpu.CompilerParams(use_tc_tiling_on_sc=False),
    )(_edge_body)


_BNP = 2000


def _pre_body(x_ref, wsw_ref, wsv_ref, o_ref):
    x = x_ref[...]
    o_ref[...] = jnp.concatenate(
        [jnp.dot(x, wsw_ref[...], preferred_element_type=jnp.float32),
         jnp.dot(x, wsv_ref[...], preferred_element_type=jnp.float32)],
        axis=1)


def _pre(x, wsw, wsv):
    full = lambda *sh: pl.BlockSpec(sh, lambda i: tuple(0 for _ in sh))
    return pl.pallas_call(
        _pre_body,
        grid=(N // _BNP,),
        in_specs=[
            pl.BlockSpec((_BNP, D), lambda i: (i, 0)),
            full(D, EMB),
            full(D, EMB),
        ],
        out_specs=pl.BlockSpec((_BNP, W2C), lambda i: (i, 0)),
        out_shape=jax.ShapeDtypeStruct((N, W2C), jnp.float32),
    )(x, wsw, wsv)


_BNB = 2000


def _tail_body(pre_ref, ps_ref, f1w_ref, f1wb_ref, f2w_ref,
               f1v_ref, f1vb_ref, f2v_ref, b2_ref,
               nt_ref, gid_ref, qs_ref, o_ref):
    i = pl.program_id(0)
    msw = ps_ref[0].astype(jnp.float32) * (1.0 / _SCALE)
    msv = ps_ref[1].astype(jnp.float32) * (1.0 / _SCALE)
    embw = jax.nn.relu(pre_ref[:, :EMB] + msw)
    embv = jax.nn.relu(pre_ref[:, EMB:] + msv)
    hidw = jax.nn.relu(
        jnp.dot(embw, f1w_ref[...], preferred_element_type=jnp.float32)
        + f1wb_ref[...])
    hidv = jax.nn.relu(
        jnp.dot(embv, f1v_ref[...], preferred_element_type=jnp.float32)
        + f1vb_ref[...])
    wv = jnp.dot(jnp.concatenate([hidw, hidv], axis=1),
                 jnp.concatenate([f2w_ref[...], f2v_ref[...]], axis=0),
                 preferred_element_type=jnp.float32) + b2_ref[...]
    w_col = wv[:, 0:1]
    v_col = wv[:, 1:2]
    ally = nt_ref[...] == NODE_ALLY
    contrib = jnp.where(ally, w_col * qs_ref[...], 0.0) + v_col
    lanes = lax.broadcasted_iota(jnp.int32, (_BNB, 128), 1)
    oh = gid_ref[...] == lanes
    s = jnp.sum(jnp.where(oh, contrib, 0.0), axis=0)

    @pl.when(i == 0)
    def _():
        o_ref[...] = jnp.zeros_like(o_ref)

    o_ref[...] += s[None, :]


def _tail(pre, ps, f1w, f1wb, f2w, f1v, f1vb, f2v, b2, nt, gid, qs):
    full = lambda *s: pl.BlockSpec(s, lambda i: tuple(0 for _ in s))
    return pl.pallas_call(
        _tail_body,
        grid=(N // _BNB,),
        in_specs=[
            pl.BlockSpec((_BNB, W2C), lambda i: (i, 0)),
            pl.BlockSpec((NC, _BNB, EMB), lambda i: (0, i, 0)),
            full(EMB, HID),
            full(1, HID),
            full(HID, 2),
            full(EMB, HID),
            full(1, HID),
            full(HID, 2),
            full(1, 2),
            pl.BlockSpec((_BNB, 1), lambda i: (i, 0)),
            pl.BlockSpec((_BNB, 1), lambda i: (i, 0)),
            pl.BlockSpec((_BNB, 1), lambda i: (i, 0)),
        ],
        out_specs=pl.BlockSpec((1, 128), lambda i: (0, 0)),
        out_shape=jax.ShapeDtypeStruct((1, 128), jnp.float32),
    )(pre, ps, f1w, f1wb, f2w, f1v, f1vb, f2v, b2, nt, gid, qs)


def kernel(node_feature, edge_index, edge_type, node_type, graph_ids, qs,
           W_rel_w, W_self_w, ffw1_w, ffw1_b, ffw2_w, ffw2_b,
           W_rel_v, W_self_v, ffv1_w, ffv1_b, ffv2_w, ffv2_b):
    f32 = jnp.float32
    x = node_feature
    src = edge_index[0].astype(jnp.int32)
    dst3 = edge_index[1].astype(jnp.int32).reshape(NS, C, K)
    et = edge_type.astype(jnp.int32)
    zz = jnp.zeros((NP, EMB), jnp.int16)

    yc = _project(x, W_rel_w, W_rel_v)
    yc2 = yc.reshape(2 * R * N, EMB)
    ps = _make_edge_agg()(yc2, src, dst3, et, zz)
    pre = _pre(x, W_self_w, W_self_v)

    f2w = jnp.concatenate([ffw2_w, jnp.zeros((HID, 1), f32)], axis=1)
    f2v = jnp.concatenate([jnp.zeros((HID, 1), f32), ffv2_w], axis=1)
    b2 = jnp.stack([ffw2_b[0], ffv2_b[0]])[None, :]
    nt = node_type.astype(jnp.int32)[:, None]
    gid = graph_ids.astype(jnp.int32)[:, None]
    seg = _tail(pre, ps, ffw1_w, ffw1_b[None, :], f2w,
                ffv1_w, ffv1_b[None, :], f2v, b2, nt, gid, qs)
    return seg[0, :B][:, None]

# --- scband reference (transcript-rebuilt; emitter-appended) ---
"""Pipeline reference for scband-qmixer-3040836845938 (READ-ONLY COPY).

The authoritative reference and input builder live on the scoring server;
editing this copy changes nothing except your own understanding.
"""

import jax, jax.numpy as jnp
import numpy as np

N = 10000
E = 320000
D = 128
EMB = 64
HID = 64
R = 3
B = 100
NODE_ALLY = 0


def setup_inputs(seed=0) -> dict:
    key = jax.random.key(seed)
    ks = jax.random.split(key, 24)
    inp = {}
    inp["node_feature"] = jax.random.normal(ks[0], (N, D), dtype=jnp.float32)
    inp["edge_index"] = jax.random.randint(ks[1], (2, E), 0, N)
    inp["edge_type"] = jax.random.randint(ks[2], (E,), 0, R)
    inp["node_type"] = jax.random.randint(ks[3], (N,), 0, 3)
    inp["graph_ids"] = jnp.sort(jax.random.randint(ks[4], (N,), 0, B))
    inp["qs"] = jax.random.normal(ks[5], (N, 1), dtype=jnp.float32)
    # hyper_w_gn (relational GCN) params
    inp["W_rel_w"] = jax.random.normal(ks[6], (R, D, EMB), dtype=jnp.float32) * 0.05
    inp["W_self_w"] = jax.random.normal(ks[7], (D, EMB), dtype=jnp.float32) * 0.05
    # hyper_w_ff params
    inp["ffw1_w"] = jax.random.normal(ks[8], (EMB, HID), dtype=jnp.float32) * 0.1
    inp["ffw1_b"] = jnp.zeros((HID,), dtype=jnp.float32)
    inp["ffw2_w"] = jax.random.normal(ks[9], (HID, 1), dtype=jnp.float32) * 0.1
    inp["ffw2_b"] = jnp.zeros((1,), dtype=jnp.float32)
    # hyper_v (relational GCN) params
    inp["W_rel_v"] = jax.random.normal(ks[10], (R, D, EMB), dtype=jnp.float32) * 0.05
    inp["W_self_v"] = jax.random.normal(ks[11], (D, EMB), dtype=jnp.float32) * 0.05
    # hyper_v_ff params
    inp["ffv1_w"] = jax.random.normal(ks[12], (EMB, HID), dtype=jnp.float32) * 0.1
    inp["ffv1_b"] = jnp.zeros((HID,), dtype=jnp.float32)
    inp["ffv2_w"] = jax.random.normal(ks[13], (HID, 1), dtype=jnp.float32) * 0.1
    inp["ffv2_b"] = jnp.zeros((1,), dtype=jnp.float32)
    return inp


def _rgcn(x, src, dst, edge_type, W_rel, W_self):
    out = x @ W_self
    for r in range(R):
        mask = (edge_type == r).astype(x.dtype)[:, None]
        msg = (jnp.take(x, src, axis=0) @ W_rel[r]) * mask
        out = out + jnp.zeros((N, W_rel.shape[-1]), dtype=x.dtype).at[dst].add(msg)
    return jax.nn.relu(out)


def _ff(h, w1, b1, w2, b2):
    return jax.nn.relu(h @ w1 + b1) @ w2 + b2


def reference(node_feature, edge_index, edge_type, node_type, graph_ids, qs,
              W_rel_w, W_self_w, ffw1_w, ffw1_b, ffw2_w, ffw2_b,
              W_rel_v, W_self_v, ffv1_w, ffv1_b, ffv2_w, ffv2_b):
    src = edge_index[0]
    dst = edge_index[1]
    # hyper_w: GNN embedding then per-node feedforward -> mixing weights w [N, 1]
    w_emb = _rgcn(node_feature, src, dst, edge_type, W_rel_w, W_self_w)
    w = _ff(w_emb, ffw1_w, ffw1_b, ffw2_w, ffw2_b)
    # restrict to ally nodes (get_filtered_node_index_by_type) via static mask
    ally_mask = (node_type == NODE_ALLY).astype(node_feature.dtype)[:, None]
    weighted_q = ally_mask * (w * qs)
    # dgl.sum_nodes over batched graph == segment_sum by graph id
    q_tot = jax.ops.segment_sum(weighted_q, graph_ids, num_segments=B)
    # hyper_v: state-value bias per graph
    v_emb = _rgcn(node_feature, src, dst, edge_type, W_rel_v, W_self_v)
    v = _ff(v_emb, ffv1_w, ffv1_b, ffv2_w, ffv2_b)
    v_tot = jax.ops.segment_sum(v, graph_ids, num_segments=B)
    return q_tot + v_tot

if __name__ == "__main__":
    import jax
    _d = setup_inputs()
    print(jax.jit(kernel)(*tuple(_d.values())))

</pallas_src>

<mosaic_0001>
#map = affine_map<(d0, d1) -> (0, 0)>
#map1 = affine_map<(d0, d1) -> (0)>
#map2 = affine_map<(d0, d1) -> (0, 0, 0)>
module attributes {stable_mosaic.version = 14 : i64} {
  func.func @_edge_body(%arg0: i32, %arg1: i32, %arg2: memref<60000x64xi16, #tpu.memory_space<hbm>>, %arg3: memref<320000xi32, #tpu.memory_space<hbm>>, %arg4: memref<16x250x80xi32, #tpu.memory_space<hbm>>, %arg5: memref<320000xi32, #tpu.memory_space<hbm>>, %arg6: memref<10240x64xi16, #tpu.memory_space<hbm>>, %arg7: memref<2x10240x64xi16, #tpu.memory_space<hbm>>, %arg8: memref<20000xi32, #tpu.memory_space<vmem>>, %arg9: memref<20000xi32, #tpu.memory_space<vmem>>, %arg10: memref<250x80xi32, #tpu.memory_space<vmem>>, %arg11: memref<80x64xi16, #tpu.memory_space<vmem>>, %arg12: memref<80x64xi16, #tpu.memory_space<vmem>>, %arg13: memref<80x64xi16, #tpu.memory_space<vmem>>, %arg14: memref<80x64xi16, #tpu.memory_space<vmem>>, %arg15: memref<80x64xi16, #tpu.memory_space<vmem>>, %arg16: memref<80x64xi16, #tpu.memory_space<vmem>>, %arg17: memref<80x64xi16, #tpu.memory_space<vmem>>, %arg18: memref<80x64xi16, #tpu.memory_space<vmem>>, %arg19: memref<80x64xi16, #tpu.memory_space<vmem>>, %arg20: memref<80x64xi16, #tpu.memory_space<vmem>>, %arg21: memref<10240x64xi16, #tpu.memory_space<vmem_shared>>, %arg22: memref<!tpu.dma_semaphore, #tpu.memory_space<semaphore_mem>>, %arg23: memref<!tpu.dma_semaphore, #tpu.memory_space<semaphore_mem>>, %arg24: memref<!tpu.dma_semaphore, #tpu.memory_space<semaphore_mem>>, %arg25: memref<!tpu.dma_semaphore, #tpu.memory_space<semaphore_mem>>, %arg26: memref<!tpu.dma_semaphore, #tpu.memory_space<semaphore_mem>>, %arg27: memref<!tpu.dma_semaphore, #tpu.memory_space<semaphore_mem>>, %arg28: memref<!tpu.dma_semaphore, #tpu.memory_space<semaphore_mem>>, %arg29: memref<!tpu.dma_semaphore, #tpu.memory_space<semaphore_mem>>, %arg30: memref<!tpu.dma_semaphore, #tpu.memory_space<semaphore_mem>>, %arg31: memref<!tpu.dma_semaphore, #tpu.memory_space<semaphore_mem>>) attributes {dimension_semantics = [#tpu.dimension_semantics<core_parallel>, #tpu.dimension_semantics<subcore_parallel>], iteration_bounds = array<i64: 2, 16>, scalar_prefetch = 0 : i64, scratch_operands = 24 : i64, tpu.core_type = #tpu.core_type<sc_vector_subcore>, window_params = [{transform_indices = #map}, {transform_indices = #map1}, {transform_indices = #map2}, {transform_indices = #map1}, {transform_indices = #map}, {transform_indices = #map2}]} {
    %mul3A = arith.constant 20000 : i32
    %mul3A_0 = arith.muli %arg1, %mul3A : i32
    "tpu.region"() ({
      %run_scoped3A = tpu.sem_alloc : memref<!tpu.dma_semaphore, #tpu.memory_space<semaphore_mem>>
      %dma_start3A = tpu.memref_slice %arg3[%mul3A_0] : memref<320000xi32, #tpu.memory_space<hbm>> -> memref<20000xi32, #tpu.memory_space<hbm>>
      %dma_start3A_23 = tpu.memref_slice %arg3[%mul3A_0] : memref<320000xi32, #tpu.memory_space<hbm>> -> memref<20000xi32, #tpu.memory_space<hbm>>
      tpu.enqueue_dma source(%dma_start3A_23 : memref<20000xi32, #tpu.memory_space<hbm>>) target(%arg8 : memref<20000xi32, #tpu.memory_space<vmem>>) target_semaphore(%run_scoped3A : memref<!tpu.dma_semaphore, #tpu.memory_space<semaphore_mem>>)
      %dma_wait3A = tpu.memref_slice %arg3[%mul3A_0] : memref<320000xi32, #tpu.memory_space<hbm>> -> memref<20000xi32, #tpu.memory_space<hbm>>
      %dma_wait3A_24 = tpu.memref_slice %arg3[%mul3A_0] : memref<320000xi32, #tpu.memory_space<hbm>> -> memref<20000xi32, #tpu.memory_space<hbm>>
      tpu.wait_dma2 semaphore(%run_scoped3A : memref<!tpu.dma_semaphore, #tpu.memory_space<semaphore_mem>>) src(%dma_wait3A_24 : memref<20000xi32, #tpu.memory_space<hbm>>) dst(%arg8 : memref<20000xi32, #tpu.memory_space<vmem>>)
      tpu.yield
    }) : () -> ()
    %mul3A_1 = arith.constant 20000 : i32
    %mul3A_2 = arith.muli %arg1, %mul3A_1 : i32
    "tpu.region"() ({
      %run_scoped3A = tpu.sem_alloc : memref<!tpu.dma_semaphore, #tpu.memory_space<semaphore_mem>>
      %dma_start3A = tpu.memref_slice %arg5[%mul3A_2] : memref<320000xi32, #tpu.memory_space<hbm>> -> memref<20000xi32, #tpu.memory_space<hbm>>
      %dma_start3A_23 = tpu.memref_slice %arg5[%mul3A_2] : memref<320000xi32, #tpu.memory_space<hbm>> -> memref<20000xi32, #tpu.memory_space<hbm>>
      tpu.enqueue_dma source(%dma_start3A_23 : memref<20000xi32, #tpu.memory_space<hbm>>) target(%arg9 : memref<20000xi32, #tpu.memory_space<vmem>>) target_semaphore(%run_scoped3A : memref<!tpu.dma_semaphore, #tpu.memory_space<semaphore_mem>>)
      %dma_wait3A = tpu.memref_slice %arg5[%mul3A_2] : memref<320000xi32, #tpu.memory_space<hbm>> -> memref<20000xi32, #tpu.memory_space<hbm>>
      %dma_wait3A_24 = tpu.memref_slice %arg5[%mul3A_2] : memref<320000xi32, #tpu.memory_space<hbm>> -> memref<20000xi32, #tpu.memory_space<hbm>>
      tpu.wait_dma2 semaphore(%run_scoped3A : memref<!tpu.dma_semaphore, #tpu.memory_space<semaphore_mem>>) src(%dma_wait3A_24 : memref<20000xi32, #tpu.memory_space<hbm>>) dst(%arg9 : memref<20000xi32, #tpu.memory_space<vmem>>)
      tpu.yield
    }) : () -> ()
    "tpu.region"() ({
      %run_scoped3A = tpu.sem_alloc : memref<!tpu.dma_semaphore, #tpu.memory_space<semaphore_mem>>
      %dma_start3A = arith.constant 0 : i32
      %dma_start3A_23 = arith.constant 0 : i32
      %dma_start3A_24 = tpu.memref_slice %arg4[%arg1, %dma_start3A, %dma_start3A_23] : memref<16x250x80xi32, #tpu.memory_space<hbm>> -> memref<1x250x80xi32, #tpu.memory_space<hbm>>
      %dma_start3A_25 = tpu.memref_squeeze %dma_start3A_24 : memref<1x250x80xi32, #tpu.memory_space<hbm>> -> memref<250x80xi32, #tpu.memory_space<hbm>>
      %dma_start3A_26 = arith.constant 0 : i32
      %dma_start3A_27 = arith.constant 0 : i32
      %dma_start3A_28 = tpu.memref_slice %arg4[%arg1, %dma_start3A_26, %dma_start3A_27] : memref<16x250x80xi32, #tpu.memory_space<hbm>> -> memref<1x250x80xi32, #tpu.memory_space<hbm>>
      %dma_start3A_29 = tpu.memref_squeeze %dma_start3A_28 : memref<1x250x80xi32, #tpu.memory_space<hbm>> -> memref<250x80xi32, #tpu.memory_space<hbm>>
      tpu.enqueue_dma source(%dma_start3A_29 : memref<250x80xi32, #tpu.memory_space<hbm>>) target(%arg10 : memref<250x80xi32, #tpu.memory_space<vmem>>) target_semaphore(%run_scoped3A : memref<!tpu.dma_semaphore, #tpu.memory_space<semaphore_mem>>)
      %dma_wait3A = arith.constant 0 : i32
      %dma_wait3A_30 = arith.constant 0 : i32
      %dma_wait3A_31 = tpu.memref_slice %arg4[%arg1, %dma_wait3A, %dma_wait3A_30] : memref<16x250x80xi32, #tpu.memory_space<hbm>> -> memref<1x250x80xi32, #tpu.memory_space<hbm>>
      %dma_wait3A_32 = tpu.memref_squeeze %dma_wait3A_31 : memref<1x250x80xi32, #tpu.memory_space<hbm>> -> memref<250x80xi32, #tpu.memory_space<hbm>>
      %dma_wait3A_33 = arith.constant 0 : i32
      %dma_wait3A_34 = arith.constant 0 : i32
      %dma_wait3A_35 = tpu.memref_slice %arg4[%arg1, %dma_wait3A_33, %dma_wait3A_34] : memref<16x250x80xi32, #tpu.memory_space<hbm>> -> memref<1x250x80xi32, #tpu.memory_space<hbm>>
      %dma_wait3A_36 = tpu.memref_squeeze %dma_wait3A_35 : memref<1x250x80xi32, #tpu.memory_space<hbm>> -> memref<250x80xi32, #tpu.memory_space<hbm>>
      tpu.wait_dma2 semaphore(%run_scoped3A : memref<!tpu.dma_semaphore, #tpu.memory_space<semaphore_mem>>) src(%dma_wait3A_36 : memref<250x80xi32, #tpu.memory_space<hbm>>) dst(%arg10 : memref<250x80xi32, #tpu.memory_space<vmem>>)
      tpu.yield
    }) : () -> ()
    %mul3A_3 = arith.constant 640 : i32
    %mul3A_4 = arith.muli %arg1, %mul3A_3 : i32
    %mul3A_5 = arith.constant 640 : i32
    %mul3A_6 = arith.muli %arg1, %mul3A_5 : i32
    "tpu.region"() ({
      %run_scoped3A = tpu.sem_alloc : memref<!tpu.dma_semaphore, #tpu.memory_space<semaphore_mem>>
      %dma_start3A = arith.constant 0 : i32
      %dma_start3A_23 = tpu.memref_slice %arg21[%mul3A_6, %dma_start3A] : memref<10240x64xi16, #tpu.memory_space<vmem_shared>> -> memref<640x64xi16, #tpu.memory_space<vmem_shared>>
      %dma_start3A_24 = arith.constant 0 : i32
      %dma_start3A_25 = tpu.memref_slice %arg6[%mul3A_4, %dma_start3A_24] : memref<10240x64xi16, #tpu.memory_space<hbm>> -> memref<640x64xi16, #tpu.memory_space<hbm>>
      tpu.enqueue_dma source(%dma_start3A_25 : memref<640x64xi16, #tpu.memory_space<hbm>>) target(%dma_start3A_23 : memref<640x64xi16, #tpu.memory_space<vmem_shared>>) target_semaphore(%run_scoped3A : memref<!tpu.dma_semaphore, #tpu.memory_space<semaphore_mem>>)
      %dma_wait3A = arith.constant 0 : i32
      %dma_wait3A_26 = tpu.memref_slice %arg21[%mul3A_6, %dma_wait3A] : memref<10240x64xi16, #tpu.memory_space<vmem_shared>> -> memref<640x64xi16, #tpu.memory_space<vmem_shared>>
      %dma_wait3A_27 = arith.constant 0 : i32
      %dma_wait3A_28 = tpu.memref_slice %arg6[%mul3A_4, %dma_wait3A_27] : memref<10240x64xi16, #tpu.memory_space<hbm>> -> memref<640x64xi16, #tpu.memory_space<hbm>>
      tpu.wait_dma2 semaphore(%run_scoped3A : memref<!tpu.dma_semaphore, #tpu.memory_space<semaphore_mem>>) src(%dma_wait3A_28 : memref<640x64xi16, #tpu.memory_space<hbm>>) dst(%dma_wait3A_26 : memref<640x64xi16, #tpu.memory_space<vmem_shared>>)
      tpu.yield
    }) : () -> ()
    %scan3A = arith.constant 0 : i32
    %scan3A_7 = arith.constant 0 : i32
    %scan3A_8 = arith.constant 50 : i32
    %scan3A_9 = arith.addi %scan3A_7, %scan3A_8 : i32
    %scan3A_10 = arith.constant 1 : i32
    scf.for %scan3A_23 = %scan3A_7 to %scan3A_9 step %scan3A_10  : i32 {
      %mul3A_24 = arith.constant 16 : i32
      %mul3A_25 = arith.muli %scan3A_23, %mul3A_24 : i32
      %get3A = arith.index_cast %mul3A_25 : i32 to index
      %get3A_26 = tpu.vector_load %arg9[%get3A] {strides = array<i32>} : memref<20000xi32, #tpu.memory_space<vmem>>, vector<16xi32>,
      %get3A_27 = vector.shape_cast %get3A_26 : vector<16xi32> to vector<16xi32>
      %mul3A_28 = arith.constant 10000 : i32
      %mul3A_29 = vector.broadcast %mul3A_28 : i32 to vector<16xi32>
      %mul3A_30 = arith.muli %get3A_27, %mul3A_29 : vector<16xi32>
      %get3A_31 = arith.index_cast %mul3A_25 : i32 to index
      %get3A_32 = tpu.vector_load %arg8[%get3A_31] {strides = array<i32>} : memref<20000xi32, #tpu.memory_space<vmem>>, vector<16xi32>,
      %get3A_33 = vector.shape_cast %get3A_32 : vector<16xi32> to vector<16xi32>
      %add3A = arith.addi %mul3A_30, %get3A_33 : vector<16xi32>
      %mul3A_34 = arith.constant 2 : i32
      %mul3A_35 = vector.broadcast %mul3A_34 : i32 to vector<16xi32>
      %mul3A_36 = arith.muli %add3A, %mul3A_35 : vector<16xi32>
      %add3A_37 = vector.broadcast %arg0 : i32 to vector<16xi32>
      %add3A_38 = arith.addi %mul3A_36, %add3A_37 : vector<16xi32>
      %swap3A = arith.index_cast %mul3A_25 : i32 to index
      %swap3A_39 = tpu.vector_load %arg8[%swap3A] {strides = array<i32>} : memref<20000xi32, #tpu.memory_space<vmem>>, vector<16xi32>,
      %swap3A_40 = vector.shape_cast %swap3A_39 : vector<16xi32> to vector<16xi32>
      %swap3A_41 = vector.shape_cast %add3A_38 : vector<16xi32> to vector<16xi32>
      tpu.vector_store %arg8[%swap3A], %swap3A_41 {strides = array<i32>} : memref<20000xi32, #tpu.memory_space<vmem>>, vector<16xi32>,
    }
    %scan3A_11 = arith.constant 50 : i32
    %barrier3A = arith.constant 0 : index
    tpu.barrier barrier_id(%barrier3A)
    %scan3A_12 = arith.constant 0 : i32
    %scan3A_13 = arith.constant 0 : i32
    %scan3A_14 = arith.constant 25 : i32
    %scan3A_15 = arith.addi %scan3A_13, %scan3A_14 : i32
    %scan3A_16 = arith.constant 1 : i32
    scf.for %scan3A_23 = %scan3A_13 to %scan3A_15 step %scan3A_16  : i32 {
      %mul3A_24 = arith.constant 800 : i32
      %mul3A_25 = arith.muli %scan3A_23, %mul3A_24 : i32
      %add3A = arith.constant 0 : i32
      %add3A_26 = arith.addi %mul3A_25, %add3A : i32
      %dma_start3A = tpu.memref_slice %arg8[%add3A_26] : memref<20000xi32, #tpu.memory_space<vmem>> -> memref<80xi32, #tpu.memory_space<vmem>>
      %dma_start3A_27 = arith.constant 0 : i32
      %dma_start3A_28 = arith.constant 0 : i32
      %dma_start3A_29 = tpu.memref_slice %arg2[%dma_start3A_27, %dma_start3A_28] : memref<60000x64xi16, #tpu.memory_space<hbm>> -> memref<60000x64xi16, #tpu.memory_space<hbm>>
      tpu.enqueue_indirect_dma source(%dma_start3A_29 : memref<60000x64xi16, #tpu.memory_space<hbm>>) target(%arg11 : memref<80x64xi16, #tpu.memory_space<vmem>>) offsets(%dma_start3A : memref<80xi32, #tpu.memory_space<vmem>>) semaphore(%arg22 : memref<!tpu.dma_semaphore, #tpu.memory_space<semaphore_mem>>)
      %add3A_30 = arith.constant 80 : i32
      %add3A_31 = arith.addi %mul3A_25, %add3A_30 : i32
      %dma_start3A_32 = tpu.memref_slice %arg8[%add3A_31] : memref<20000xi32, #tpu.memory_space<vmem>> -> memref<80xi32, #tpu.memory_space<vmem>>
      %dma_start3A_33 = arith.constant 0 : i32
      %dma_start3A_34 = arith.constant 0 : i32
      %dma_start3A_35 = tpu.memref_slice %arg2[%dma_start3A_33, %dma_start3A_34] : memref<60000x64xi16, #tpu.memory_space<hbm>> -> memref<60000x64xi16, #tpu.memory_space<hbm>>
      tpu.enqueue_indirect_dma source(%dma_start3A_35 : memref<60000x64xi16, #tpu.memory_space<hbm>>) target(%arg12 : memref<80x64xi16, #tpu.memory_space<vmem>>) offsets(%dma_start3A_32 : memref<80xi32, #tpu.memory_space<vmem>>) semaphore(%arg23 : memref<!tpu.dma_semaphore, #tpu.memory_space<semaphore_mem>>)
      %add3A_36 = arith.constant 160 : i32
      %add3A_37 = arith.addi %mul3A_25, %add3A_36 : i32
      %dma_start3A_38 = tpu.memref_slice %arg8[%add3A_37] : memref<20000xi32, #tpu.memory_space<vmem>> -> memref<80xi32, #tpu.memory_space<vmem>>
      %dma_start3A_39 = arith.constant 0 : i32
      %dma_start3A_40 = arith.constant 0 : i32
      %dma_start3A_41 = tpu.memref_slice %arg2[%dma_start3A_39, %dma_start3A_40] : memref<60000x64xi16, #tpu.memory_space<hbm>> -> memref<60000x64xi16, #tpu.memory_space<hbm>>
      tpu.enqueue_indirect_dma source(%dma_start3A_41 : memref<60000x64xi16, #tpu.memory_space<hbm>>) target(%arg13 : memref<80x64xi16, #tpu.memory_space<vmem>>) offsets(%dma_start3A_38 : memref<80xi32, #tpu.memory_space<vmem>>) semaphore(%arg24 : memref<!tpu.dma_semaphore, #tpu.memory_space<semaphore_mem>>)
      %add3A_42 = arith.constant 240 : i32
      %add3A_43 = arith.addi %mul3A_25, %add3A_42 : i32
      %dma_start3A_44 = tpu.memref_slice %arg8[%add3A_43] : memref<20000xi32, #tpu.memory_space<vmem>> -> memref<80xi32, #tpu.memory_space<vmem>>
      %dma_start3A_45 = arith.constant 0 : i32
      %dma_start3A_46 = arith.constant 0 : i32
      %dma_start3A_47 = tpu.memref_slice %arg2[%dma_start3A_45, %dma_start3A_46] : memref<60000x64xi16, #tpu.memory_space<hbm>> -> memref<60000x64xi16, #tpu.memory_space<hbm>>
      tpu.enqueue_indirect_dma source(%dma_start3A_47 : memref<60000x64xi16, #tpu.memory_space<hbm>>) target(%arg14 : memref<80x64xi16, #tpu.memory_space<vmem>>) offsets(%dma_start3A_44 : memref<80xi32, #tpu.memory_space<vmem>>) semaphore(%arg25 : memref<!tpu.dma_semaphore, #tpu.memory_space<semaphore_mem>>)
      %add3A_48 = arith.constant 320 : i32
      %add3A_49 = arith.addi %mul3A_25, %add3A_48 : i32
      %dma_start3A_50 = tpu.memref_slice %arg8[%add3A_49] : memref<20000xi32, #tpu.memory_space<vmem>> -> memref<80xi32, #tpu.memory_space<vmem>>
      %dma_start3A_51 = arith.constant 0 : i32
      %dma_start3A_52 = arith.constant 0 : i32
      %dma_start3A_53 = tpu.memref_slice %arg2[%dma_start3A_51, %dma_start3A_52] : memref<60000x64xi16, #tpu.memory_space<hbm>> -> memref<60000x64xi16, #tpu.memory_space<hbm>>
      tpu.enqueue_indirect_dma source(%dma_start3A_53 : memref<60000x64xi16, #tpu.memory_space<hbm>>) target(%arg15 : memref<80x64xi16, #tpu.memory_space<vmem>>) offsets(%dma_start3A_50 : memref<80xi32, #tpu.memory_space<vmem>>) semaphore(%arg26 : memref<!tpu.dma_semaphore, #tpu.memory_space<semaphore_mem>>)
      %add3A_54 = arith.constant 400 : i32
      %add3A_55 = arith.addi %mul3A_25, %add3A_54 : i32
      %dma_start3A_56 = tpu.memref_slice %arg8[%add3A_55] : memref<20000xi32, #tpu.memory_space<vmem>> -> memref<80xi32, #tpu.memory_space<vmem>>
      %dma_start3A_57 = arith.constant 0 : i32
      %dma_start3A_58 = arith.constant 0 : i32
      %dma_start3A_59 = tpu.memref_slice %arg2[%dma_start3A_57, %dma_start3A_58] : memref<60000x64xi16, #tpu.memory_space<hbm>> -> memref<60000x64xi16, #tpu.memory_space<hbm>>
      tpu.enqueue_indirect_dma source(%dma_start3A_59 : memref<60000x64xi16, #tpu.memory_space<hbm>>) target(%arg16 : memref<80x64xi16, #tpu.memory_space<vmem>>) offsets(%dma_start3A_56 : memref<80xi32, #tpu.memory_space<vmem>>) semaphore(%arg27 : memref<!tpu.dma_semaphore, #tpu.memory_space<semaphore_mem>>)
      %add3A_60 = arith.constant 480 : i32
      %add3A_61 = arith.addi %mul3A_25, %add3A_60 : i32
      %dma_start3A_62 = tpu.memref_slice %arg8[%add3A_61] : memref<20000xi32, #tpu.memory_space<vmem>> -> memref<80xi32, #tpu.memory_space<vmem>>
      %dma_start3A_63 = arith.constant 0 : i32
      %dma_start3A_64 = arith.constant 0 : i32
      %dma_start3A_65 = tpu.memref_slice %arg2[%dma_start3A_63, %dma_start3A_64] : memref<60000x64xi16, #tpu.memory_space<hbm>> -> memref<60000x64xi16, #tpu.memory_space<hbm>>
      tpu.enqueue_indirect_dma source(%dma_start3A_65 : memref<60000x64xi16, #tpu.memory_space<hbm>>) target(%arg17 : memref<80x64xi16, #tpu.memory_space<vmem>>) offsets(%dma_start3A_62 : memref<80xi32, #tpu.memory_space<vmem>>) semaphore(%arg28 : memref<!tpu.dma_semaphore, #tpu.memory_space<semaphore_mem>>)
      %add3A_66 = arith.constant 560 : i32
      %add3A_67 = arith.addi %mul3A_25, %add3A_66 : i32
      %dma_start3A_68 = tpu.memref_slice %arg8[%add3A_67] : memref<20000xi32, #tpu.memory_space<vmem>> -> memref<80xi32, #tpu.memory_space<vmem>>
      %dma_start3A_69 = arith.constant 0 : i32
      %dma_start3A_70 = arith.constant 0 : i32
      %dma_start3A_71 = tpu.memref_slice %arg2[%dma_start3A_69, %dma_start3A_70] : memref<60000x64xi16, #tpu.memory_space<hbm>> -> memref<60000x64xi16, #tpu.memory_space<hbm>>
      tpu.enqueue_indirect_dma source(%dma_start3A_71 : memref<60000x64xi16, #tpu.memory_space<hbm>>) target(%arg18 : memref<80x64xi16, #tpu.memory_space<vmem>>) offsets(%dma_start3A_68 : memref<80xi32, #tpu.memory_space<vmem>>) semaphore(%arg29 : memref<!tpu.dma_semaphore, #tpu.memory_space<semaphore_mem>>)
      %add3A_72 = arith.constant 640 : i32
      %add3A_73 = arith.addi %mul3A_25, %add3A_72 : i32
      %dma_start3A_74 = tpu.memref_slice %arg8[%add3A_73] : memref<20000xi32, #tpu.memory_space<vmem>> -> memref<80xi32, #tpu.memory_space<vmem>>
      %dma_start3A_75 = arith.constant 0 : i32
      %dma_start3A_76 = arith.constant 0 : i32
      %dma_start3A_77 = tpu.memref_slice %arg2[%dma_start3A_75, %dma_start3A_76] : memref<60000x64xi16, #tpu.memory_space<hbm>> -> memref<60000x64xi16, #tpu.memory_space<hbm>>
      tpu.enqueue_indirect_dma source(%dma_start3A_77 : memref<60000x64xi16, #tpu.memory_space<hbm>>) target(%arg19 : memref<80x64xi16, #tpu.memory_space<vmem>>) offsets(%dma_start3A_74 : memref<80xi32, #tpu.memory_space<vmem>>) semaphore(%arg30 : memref<!tpu.dma_semaphore, #tpu.memory_space<semaphore_mem>>)
      %add3A_78 = arith.constant 720 : i32
      %add3A_79 = arith.addi %mul3A_25, %add3A_78 : i32
      %dma_start3A_80 = tpu.memref_slice %arg8[%add3A_79] : memref<20000xi32, #tpu.memory_space<vmem>> -> memref<80xi32, #tpu.memory_space<vmem>>
      %dma_start3A_81 = arith.constant 0 : i32
      %dma_start3A_82 = arith.constant 0 : i32
      %dma_start3A_83 = tpu.memref_slice %arg2[%dma_start3A_81, %dma_start3A_82] : memref<60000x64xi16, #tpu.memory_space<hbm>> -> memref<60000x64xi16, #tpu.memory_space<hbm>>
      tpu.enqueue_indirect_dma source(%dma_start3A_83 : memref<60000x64xi16, #tpu.memory_space<hbm>>) target(%arg20 : memref<80x64xi16, #tpu.memory_space<vmem>>) offsets(%dma_start3A_80 : memref<80xi32, #tpu.memory_space<vmem>>) semaphore(%arg31 : memref<!tpu.dma_semaphore, #tpu.memory_space<semaphore_mem>>)
      %add3A_84 = arith.constant 1 : i32
      %add3A_85 = arith.addi %scan3A_23, %add3A_84 : i32
      %rem3A = arith.constant 25 : i32
      %rem3A_86 = arith.remsi %add3A_85, %rem3A : i32
      %mul3A_87 = arith.constant 50 : i32
      %mul3A_88 = arith.muli %rem3A_86, %mul3A_87 : i32
      %add3A_89 = arith.constant 50 : i32
      %add3A_90 = arith.addi %mul3A_88, %add3A_89 : i32
      %while3A = arith.constant 0 : i32
      %while3A_91 = arith.subi %add3A_90, %mul3A_88 : i32
      %while3A_92 = arith.addi %mul3A_88, %while3A_91 : i32
      %while3A_93 = arith.constant 1 : i32
      %while3A_94 = arith.divsi %while3A_91, %while3A_93 : i32
      %while3A_95 = arith.muli %while3A_94, %while3A_93 : i32
      %while3A_96 = arith.addi %mul3A_88, %while3A_95 : i32
      %while3A_97 = arith.constant 1 : i32
      scf.for %while3A_178 = %mul3A_88 to %while3A_96 step %while3A_97  : i32 {
        %mul3A_179 = arith.constant 16 : i32
        %mul3A_180 = arith.muli %while3A_178, %mul3A_179 : i32
        %get3A = arith.index_cast %mul3A_180 : i32 to index
        %get3A_181 = tpu.vector_load %arg9[%get3A] {strides = array<i32>} : memref<20000xi32, #tpu.memory_space<vmem>>, vector<16xi32>,
        %get3A_182 = vector.shape_cast %get3A_181 : vector<16xi32> to vector<16xi32>
        %mul3A_183 = arith.constant 10000 : i32
        %mul3A_184 = vector.broadcast %mul3A_183 : i32 to vector<16xi32>
        %mul3A_185 = arith.muli %get3A_182, %mul3A_184 : vector<16xi32>
        %get3A_186 = arith.index_cast %mul3A_180 : i32 to index
        %get3A_187 = tpu.vector_load %arg8[%get3A_186] {strides = array<i32>} : memref<20000xi32, #tpu.memory_space<vmem>>, vector<16xi32>,
        %get3A_188 = vector.shape_cast %get3A_187 : vector<16xi32> to vector<16xi32>
        %add3A_189 = arith.addi %mul3A_185, %get3A_188 : vector<16xi32>
        %mul3A_190 = arith.constant 2 : i32
        %mul3A_191 = vector.broadcast %mul3A_190 : i32 to vector<16xi32>
        %mul3A_192 = arith.muli %add3A_189, %mul3A_191 : vector<16xi32>
        %add3A_193 = vector.broadcast %arg0 : i32 to vector<16xi32>
        %add3A_194 = arith.addi %mul3A_192, %add3A_193 : vector<16xi32>
        %swap3A = arith.index_cast %mul3A_180 : i32 to index
        %swap3A_195 = tpu.vector_load %arg8[%swap3A] {strides = array<i32>} : memref<20000xi32, #tpu.memory_space<vmem>>, vector<16xi32>,
        %swap3A_196 = vector.shape_cast %swap3A_195 : vector<16xi32> to vector<16xi32>
        %swap3A_197 = vector.shape_cast %add3A_194 : vector<16xi32> to vector<16xi32>
        tpu.vector_store %arg8[%swap3A], %swap3A_197 {strides = array<i32>} : memref<20000xi32, #tpu.memory_space<vmem>>, vector<16xi32>,
      }
      %while3A_98 = arith.constant 1 : i32
      scf.for %while3A_178 = %while3A_96 to %while3A_92 step %while3A_98  : i32 {
        %mul3A_179 = arith.constant 16 : i32
        %mul3A_180 = arith.muli %while3A_178, %mul3A_179 : i32
        %get3A = arith.index_cast %mul3A_180 : i32 to index
        %get3A_181 = tpu.vector_load %arg9[%get3A] {strides = array<i32>} : memref<20000xi32, #tpu.memory_space<vmem>>, vector<16xi32>,
        %get3A_182 = vector.shape_cast %get3A_181 : vector<16xi32> to vector<16xi32>
        %mul3A_183 = arith.constant 10000 : i32
        %mul3A_184 = vector.broadcast %mul3A_183 : i32 to vector<16xi32>
        %mul3A_185 = arith.muli %get3A_182, %mul3A_184 : vector<16xi32>
        %get3A_186 = arith.index_cast %mul3A_180 : i32 to index
        %get3A_187 = tpu.vector_load %arg8[%get3A_186] {strides = array<i32>} : memref<20000xi32, #tpu.memory_space<vmem>>, vector<16xi32>,
        %get3A_188 = vector.shape_cast %get3A_187 : vector<16xi32> to vector<16xi32>
        %add3A_189 = arith.addi %mul3A_185, %get3A_188 : vector<16xi32>
        %mul3A_190 = arith.constant 2 : i32
        %mul3A_191 = vector.broadcast %mul3A_190 : i32 to vector<16xi32>
        %mul3A_192 = arith.muli %add3A_189, %mul3A_191 : vector<16xi32>
        %add3A_193 = vector.broadcast %arg0 : i32 to vector<16xi32>
        %add3A_194 = arith.addi %mul3A_192, %add3A_193 : vector<16xi32>
        %swap3A = arith.index_cast %mul3A_180 : i32 to index
        %swap3A_195 = tpu.vector_load %arg8[%swap3A] {strides = array<i32>} : memref<20000xi32, #tpu.memory_space<vmem>>, vector<16xi32>,
        %swap3A_196 = vector.shape_cast %swap3A_195 : vector<16xi32> to vector<16xi32>
        %swap3A_197 = vector.shape_cast %add3A_194 : vector<16xi32> to vector<16xi32>
        tpu.vector_store %arg8[%swap3A], %swap3A_197 {strides = array<i32>} : memref<20000xi32, #tpu.memory_space<vmem>>, vector<16xi32>,
      }
      %dma_wait3A = tpu.memref_slice %arg8[%add3A_26] : memref<20000xi32, #tpu.memory_space<vmem>> -> memref<80xi32, #tpu.memory_space<vmem>>
      %dma_wait3A_99 = arith.constant 0 : i32
      %dma_wait3A_100 = arith.constant 0 : i32
      %dma_wait3A_101 = tpu.memref_slice %arg2[%dma_wait3A_99, %dma_wait3A_100] : memref<60000x64xi16, #tpu.memory_space<hbm>> -> memref<60000x64xi16, #tpu.memory_space<hbm>>
      tpu.wait_indirect_dma semaphore(%arg22 : memref<!tpu.dma_semaphore, #tpu.memory_space<semaphore_mem>>) src(%dma_wait3A_101 : memref<60000x64xi16, #tpu.memory_space<hbm>>) dst(%arg11 : memref<80x64xi16, #tpu.memory_space<vmem>>)
      %mul3A_102 = arith.constant 10 : i32
      %mul3A_103 = arith.muli %scan3A_23, %mul3A_102 : i32
      %add3A_104 = arith.constant 0 : i32
      %add3A_105 = arith.addi %mul3A_103, %add3A_104 : i32
      "tpu.region"() ({
        %run_scoped3A = tpu.sem_alloc : memref<!tpu.dma_semaphore, #tpu.memory_space<semaphore_mem>>
        %dma_start3A_178 = arith.constant 0 : i32
        %dma_start3A_179 = tpu.memref_slice %arg10[%add3A_105, %dma_start3A_178] : memref<250x80xi32, #tpu.memory_space<vmem>> -> memref<1x80xi32, #tpu.memory_space<vmem>>
        %dma_start3A_180 = tpu.memref_squeeze %dma_start3A_179 : memref<1x80xi32, #tpu.memory_space<vmem>> -> memref<80xi32, #tpu.memory_space<vmem>>
        %dma_start3A_181 = arith.constant 0 : i32
        %dma_start3A_182 = arith.constant 0 : i32
        %dma_start3A_183 = tpu.memref_slice %arg21[%dma_start3A_181, %dma_start3A_182] : memref<10240x64xi16, #tpu.memory_space<vmem_shared>> -> memref<10240x64xi16, #tpu.memory_space<vmem_shared>>
        tpu.enqueue_indirect_dma source(%arg11 : memref<80x64xi16, #tpu.memory_space<vmem>>) target(%dma_start3A_183 : memref<10240x64xi16, #tpu.memory_space<vmem_shared>>) offsets(%dma_start3A_180 : memref<80xi32, #tpu.memory_space<vmem>>) semaphore(%run_scoped3A : memref<!tpu.dma_semaphore, #tpu.memory_space<semaphore_mem>>) {add = true}
        %dma_wait3A_184 = arith.constant 0 : i32
        %dma_wait3A_185 = tpu.memref_slice %arg10[%add3A_105, %dma_wait3A_184] : memref<250x80xi32, #tpu.memory_space<vmem>> -> memref<1x80xi32, #tpu.memory_space<vmem>>
        %dma_wait3A_186 = tpu.memref_squeeze %dma_wait3A_185 : memref<1x80xi32, #tpu.memory_space<vmem>> -> memref<80xi32, #tpu.memory_space<vmem>>
        %dma_wait3A_187 = arith.constant 0 : i32
        %dma_wait3A_188 = arith.constant 0 : i32
        %dma_wait3A_189 = tpu.memref_slice %arg21[%dma_wait3A_187, %dma_wait3A_188] : memref<10240x64xi16, #tpu.memory_space<vmem_shared>> -> memref<10240x64xi16, #tpu.memory_space<vmem_shared>>
        tpu.wait_indirect_dma semaphore(%run_scoped3A : memref<!tpu.dma_semaphore, #tpu.memory_space<semaphore_mem>>) src(%arg11 : memref<80x64xi16, #tpu.memory_space<vmem>>) dst(%dma_wait3A_189 : memref<10240x64xi16, #tpu.memory_space<vmem_shared>>)
        tpu.yield
      }) : () -> ()
      %dma_wait3A_106 = tpu.memref_slice %arg8[%add3A_31] : memref<20000xi32, #tpu.memory_space<vmem>> -> memref<80xi32, #tpu.memory_space<vmem>>
      %dma_wait3A_107 = arith.constant 0 : i32
      %dma_wait3A_108 = arith.constant 0 : i32
      %dma_wait3A_109 = tpu.memref_slice %arg2[%dma_wait3A_107, %dma_wait3A_108] : memref<60000x64xi16, #tpu.memory_space<hbm>> -> memref<60000x64xi16, #tpu.memory_space<hbm>>
      tpu.wait_indirect_dma semaphore(%arg23 : memref<!tpu.dma_semaphore, #tpu.memory_space<semaphore_mem>>) src(%dma_wait3A_109 : memref<60000x64xi16, #tpu.memory_space<hbm>>) dst(%arg12 : memref<80x64xi16, #tpu.memory_space<vmem>>)
      %mul3A_110 = arith.constant 10 : i32
      %mul3A_111 = arith.muli %scan3A_23, %mul3A_110 : i32
      %add3A_112 = arith.constant 1 : i32
      %add3A_113 = arith.addi %mul3A_111, %add3A_112 : i32
      "tpu.region"() ({
        %run_scoped3A = tpu.sem_alloc : memref<!tpu.dma_semaphore, #tpu.memory_space<semaphore_mem>>
        %dma_start3A_178 = arith.constant 0 : i32
        %dma_start3A_179 = tpu.memref_slice %arg10[%add3A_113, %dma_start3A_178] : memref<250x80xi32, #tpu.memory_space<vmem>> -> memref<1x80xi32, #tpu.memory_space<vmem>>
        %dma_start3A_180 = tpu.memref_squeeze %dma_start3A_179 : memref<1x80xi32, #tpu.memory_space<vmem>> -> memref<80xi32, #tpu.memory_space<vmem>>
        %dma_start3A_181 = arith.constant 0 : i32
        %dma_start3A_182 = arith.constant 0 : i32
        %dma_start3A_183 = tpu.memref_slice %arg21[%dma_start3A_181, %dma_start3A_182] : memref<10240x64xi16, #tpu.memory_space<vmem_shared>> -> memref<10240x64xi16, #tpu.memory_space<vmem_shared>>
        tpu.enqueue_indirect_dma source(%arg12 : memref<80x64xi16, #tpu.memory_space<vmem>>) target(%dma_start3A_183 : memref<10240x64xi16, #tpu.memory_space<vmem_shared>>) offsets(%dma_start3A_180 : memref<80xi32, #tpu.memory_space<vmem>>) semaphore(%run_scoped3A : memref<!tpu.dma_semaphore, #tpu.memory_space<semaphore_mem>>) {add = true}
        %dma_wait3A_184 = arith.constant 0 : i32
        %dma_wait3A_185 = tpu.memref_slice %arg10[%add3A_113, %dma_wait3A_184] : memref<250x80xi32, #tpu.memory_space<vmem>> -> memref<1x80xi32, #tpu.memory_space<vmem>>
        %dma_wait3A_186 = tpu.memref_squeeze %dma_wait3A_185 : memref<1x80xi32, #tpu.memory_space<vmem>> -> memref<80xi32, #tpu.memory_space<vmem>>
        %dma_wait3A_187 = arith.constant 0 : i32
        %dma_wait3A_188 = arith.constant 0 : i32
        %dma_wait3A_189 = tpu.memref_slice %arg21[%dma_wait3A_187, %dma_wait3A_188] : memref<10240x64xi16, #tpu.memory_space<vmem_shared>> -> memref<10240x64xi16, #tpu.memory_space<vmem_shared>>
        tpu.wait_indirect_dma semaphore(%run_scoped3A : memref<!tpu.dma_semaphore, #tpu.memory_space<semaphore_mem>>) src(%arg12 : memref<80x64xi16, #tpu.memory_space<vmem>>) dst(%dma_wait3A_189 : memref<10240x64xi16, #tpu.memory_space<vmem_shared>>)
        tpu.yield
      }) : () -> ()
      %dma_wait3A_114 = tpu.memref_slice %arg8[%add3A_37] : memref<20000xi32, #tpu.memory_space<vmem>> -> memref<80xi32, #tpu.memory_space<vmem>>
      %dma_wait3A_115 = arith.constant 0 : i32
      %dma_wait3A_116 = arith.constant 0 : i32
      %dma_wait3A_117 = tpu.memref_slice %arg2[%dma_wait3A_115, %dma_wait3A_116] : memref<60000x64xi16, #tpu.memory_space<hbm>> -> memref<60000x64xi16, #tpu.memory_space<hbm>>
      tpu.wait_indirect_dma semaphore(%arg24 : memref<!tpu.dma_semaphore, #tpu.memory_space<semaphore_mem>>) src(%dma_wait3A_117 : memref<60000x64xi16, #tpu.memory_space<hbm>>) dst(%arg13 : memref<80x64xi16, #tpu.memory_space<vmem>>)
      %mul3A_118 = arith.constant 10 : i32
      %mul3A_119 = arith.muli %scan3A_23, %mul3A_118 : i32
      %add3A_120 = arith.constant 2 : i32
      %add3A_121 = arith.addi %mul3A_119, %add3A_120 : i32
      "tpu.region"() ({
        %run_scoped3A = tpu.sem_alloc : memref<!tpu.dma_semaphore, #tpu.memory_space<semaphore_mem>>
        %dma_start3A_178 = arith.constant 0 : i32
        %dma_start3A_179 = tpu.memref_slice %arg10[%add3A_121, %dma_start3A_178] : memref<250x80xi32, #tpu.memory_space<vmem>> -> memref<1x80xi32, #tpu.memory_space<vmem>>
        %dma_start3A_180 = tpu.memref_squeeze %dma_start3A_179 : memref<1x80xi32, #tpu.memory_space<vmem>> -> memref<80xi32, #tpu.memory_space<vmem>>
        %dma_start3A_181 = arith.constant 0 : i32
        %dma_start3A_182 = arith.constant 0 : i32
        %dma_start3A_183 = tpu.memref_slice %arg21[%dma_start3A_181, %dma_start3A_182] : memref<10240x64xi16, #tpu.memory_space<vmem_shared>> -> memref<10240x64xi16, #tpu.memory_space<vmem_shared>>
        tpu.enqueue_indirect_dma source(%arg13 : memref<80x64xi16, #tpu.memory_space<vmem>>) target(%dma_start3A_183 : memref<10240x64xi16, #tpu.memory_space<vmem_shared>>) offsets(%dma_start3A_180 : memref<80xi32, #tpu.memory_space<vmem>>) semaphore(%run_scoped3A : memref<!tpu.dma_semaphore, #tpu.memory_space<semaphore_mem>>) {add = true}
        %dma_wait3A_184 = arith.constant 0 : i32
        %dma_wait3A_185 = tpu.memref_slice %arg10[%add3A_121, %dma_wait3A_184] : memref<250x80xi32, #tpu.memory_space<vmem>> -> memref<1x80xi32, #tpu.memory_space<vmem>>
        %dma_wait3A_186 = tpu.memref_squeeze %dma_wait3A_185 : memref<1x80xi32, #tpu.memory_space<vmem>> -> memref<80xi32, #tpu.memory_space<vmem>>
        %dma_wait3A_187 = arith.constant 0 : i32
        %dma_wait3A_188 = arith.constant 0 : i32
        %dma_wait3A_189 = tpu.memref_slice %arg21[%dma_wait3A_187, %dma_wait3A_188] : memref<10240x64xi16, #tpu.memory_space<vmem_shared>> -> memref<10240x64xi16, #tpu.memory_space<vmem_shared>>
        tpu.wait_indirect_dma semaphore(%run_scoped3A : memref<!tpu.dma_semaphore, #tpu.memory_space<semaphore_mem>>) src(%arg13 : memref<80x64xi16, #tpu.memory_space<vmem>>) dst(%dma_wait3A_189 : memref<10240x64xi16, #tpu.memory_space<vmem_shared>>)
        tpu.yield
      }) : () -> ()
      %dma_wait3A_122 = tpu.memref_slice %arg8[%add3A_43] : memref<20000xi32, #tpu.memory_space<vmem>> -> memref<80xi32, #tpu.memory_space<vmem>>
      %dma_wait3A_123 = arith.constant 0 : i32
      %dma_wait3A_124 = arith.constant 0 : i32
      %dma_wait3A_125 = tpu.memref_slice %arg2[%dma_wait3A_123, %dma_wait3A_124] : memref<60000x64xi16, #tpu.memory_space<hbm>> -> memref<60000x64xi16, #tpu.memory_space<hbm>>
      tpu.wait_indirect_dma semaphore(%arg25 : memref<!tpu.dma_semaphore, #tpu.memory_space<semaphore_mem>>) src(%dma_wait3A_125 : memref<60000x64xi16, #tpu.memory_space<hbm>>) dst(%arg14 : memref<80x64xi16, #tpu.memory_space<vmem>>)
      %mul3A_126 = arith.constant 10 : i32
      %mul3A_127 = arith.muli %scan3A_23, %mul3A_126 : i32
      %add3A_128 = arith.constant 3 : i32
      %add3A_129 = arith.addi %mul3A_127, %add3A_128 : i32
      "tpu.region"() ({
        %run_scoped3A = tpu.sem_alloc : memref<!tpu.dma_semaphore, #tpu.memory_space<semaphore_mem>>
        %dma_start3A_178 = arith.constant 0 : i32
        %dma_start3A_179 = tpu.memref_slice %arg10[%add3A_129, %dma_start3A_178] : memref<250x80xi32, #tpu.memory_space<vmem>> -> memref<1x80xi32, #tpu.memory_space<vmem>>
        %dma_start3A_180 = tpu.memref_squeeze %dma_start3A_179 : memref<1x80xi32, #tpu.memory_space<vmem>> -> memref<80xi32, #tpu.memory_space<vmem>>
        %dma_start3A_181 = arith.constant 0 : i32
        %dma_start3A_182 = arith.constant 0 : i32
        %dma_start3A_183 = tpu.memref_slice %arg21[%dma_start3A_181, %dma_start3A_182] : memref<10240x64xi16, #tpu.memory_space<vmem_shared>> -> memref<10240x64xi16, #tpu.memory_space<vmem_shared>>
        tpu.enqueue_indirect_dma source(%arg14 : memref<80x64xi16, #tpu.memory_space<vmem>>) target(%dma_start3A_183 : memref<10240x64xi16, #tpu.memory_space<vmem_shared>>) offsets(%dma_start3A_180 : memref<80xi32, #tpu.memory_space<vmem>>) semaphore(%run_scoped3A : memref<!tpu.dma_semaphore, #tpu.memory_space<semaphore_mem>>) {add = true}
        %dma_wait3A_184 = arith.constant 0 : i32
        %dma_wait3A_185 = tpu.memref_slice %arg10[%add3A_129, %dma_wait3A_184] : memref<250x80xi32, #tpu.memory_space<vmem>> -> memref<1x80xi32, #tpu.memory_space<vmem>>
        %dma_wait3A_186 = tpu.memref_squeeze %dma_wait3A_185 : memref<1x80xi32, #tpu.memory_space<vmem>> -> memref<80xi32, #tpu.memory_space<vmem>>
        %dma_wait3A_187 = arith.constant 0 : i32
        %dma_wait3A_188 = arith.constant 0 : i32
        %dma_wait3A_189 = tpu.memref_slice %arg21[%dma_wait3A_187, %dma_wait3A_188] : memref<10240x64xi16, #tpu.memory_space<vmem_shared>> -> memref<10240x64xi16, #tpu.memory_space<vmem_shared>>
        tpu.wait_indirect_dma semaphore(%run_scoped3A : memref<!tpu.dma_semaphore, #tpu.memory_space<semaphore_mem>>) src(%arg14 : memref<80x64xi16, #tpu.memory_space<vmem>>) dst(%dma_wait3A_189 : memref<10240x64xi16, #tpu.memory_space<vmem_shared>>)
        tpu.yield
      }) : () -> ()
      %dma_wait3A_130 = tpu.memref_slice %arg8[%add3A_49] : memref<20000xi32, #tpu.memory_space<vmem>> -> memref<80xi32, #tpu.memory_space<vmem>>
      %dma_wait3A_131 = arith.constant 0 : i32
      %dma_wait3A_132 = arith.constant 0 : i32
      %dma_wait3A_133 = tpu.memref_slice %arg2[%dma_wait3A_131, %dma_wait3A_132] : memref<60000x64xi16, #tpu.memory_space<hbm>> -> memref<60000x64xi16, #tpu.memory_space<hbm>>
      tpu.wait_indirect_dma semaphore(%arg26 : memref<!tpu.dma_semaphore, #tpu.memory_space<semaphore_mem>>) src(%dma_wait3A_133 : memref<60000x64xi16, #tpu.memory_space<hbm>>) dst(%arg15 : memref<80x64xi16, #tpu.memory_space<vmem>>)
      %mul3A_134 = arith.constant 10 : i32
      %mul3A_135 = arith.muli %scan3A_23, %mul3A_134 : i32
      %add3A_136 = arith.constant 4 : i32
      %add3A_137 = arith.addi %mul3A_135, %add3A_136 : i32
      "tpu.region"() ({
        %run_scoped3A = tpu.sem_alloc : memref<!tpu.dma_semaphore, #tpu.memory_space<semaphore_mem>>
        %dma_start3A_178 = arith.constant 0 : i32
        %dma_start3A_179 = tpu.memref_slice %arg10[%add3A_137, %dma_start3A_178] : memref<250x80xi32, #tpu.memory_space<vmem>> -> memref<1x80xi32, #tpu.memory_space<vmem>>
        %dma_start3A_180 = tpu.memref_squeeze %dma_start3A_179 : memref<1x80xi32, #tpu.memory_space<vmem>> -> memref<80xi32, #tpu.memory_space<vmem>>
        %dma_start3A_181 = arith.constant 0 : i32
        %dma_start3A_182 = arith.constant 0 : i32
        %dma_start3A_183 = tpu.memref_slice %arg21[%dma_start3A_181, %dma_start3A_182] : memref<10240x64xi16, #tpu.memory_space<vmem_shared>> -> memref<10240x64xi16, #tpu.memory_space<vmem_shared>>
        tpu.enqueue_indirect_dma source(%arg15 : memref<80x64xi16, #tpu.memory_space<vmem>>) target(%dma_start3A_183 : memref<10240x64xi16, #tpu.memory_space<vmem_shared>>) offsets(%dma_start3A_180 : memref<80xi32, #tpu.memory_space<vmem>>) semaphore(%run_scoped3A : memref<!tpu.dma_semaphore, #tpu.memory_space<semaphore_mem>>) {add = true}
        %dma_wait3A_184 = arith.constant 0 : i32
        %dma_wait3A_185 = tpu.memref_slice %arg10[%add3A_137, %dma_wait3A_184] : memref<250x80xi32, #tpu.memory_space<vmem>> -> memref<1x80xi32, #tpu.memory_space<vmem>>
        %dma_wait3A_186 = tpu.memref_squeeze %dma_wait3A_185 : memref<1x80xi32, #tpu.memory_space<vmem>> -> memref<80xi32, #tpu.memory_space<vmem>>
        %dma_wait3A_187 = arith.constant 0 : i32
        %dma_wait3A_188 = arith.constant 0 : i32
        %dma_wait3A_189 = tpu.memref_slice %arg21[%dma_wait3A_187, %dma_wait3A_188] : memref<10240x64xi16, #tpu.memory_space<vmem_shared>> -> memref<10240x64xi16, #tpu.memory_space<vmem_shared>>
        tpu.wait_indirect_dma semaphore(%run_scoped3A : memref<!tpu.dma_semaphore, #tpu.memory_space<semaphore_mem>>) src(%arg15 : memref<80x64xi16, #tpu.memory_space<vmem>>) dst(%dma_wait3A_189 : memref<10240x64xi16, #tpu.memory_space<vmem_shared>>)
        tpu.yield
      }) : () -> ()
      %dma_wait3A_138 = tpu.memref_slice %arg8[%add3A_55] : memref<20000xi32, #tpu.memory_space<vmem>> -> memref<80xi32, #tpu.memory_space<vmem>>
      %dma_wait3A_139 = arith.constant 0 : i32
      %dma_wait3A_140 = arith.constant 0 : i32
      %dma_wait3A_141 = tpu.memref_slice %arg2[%dma_wait3A_139, %dma_wait3A_140] : memref<60000x64xi16, #tpu.memory_space<hbm>> -> memref<60000x64xi16, #tpu.memory_space<hbm>>
      tpu.wait_indirect_dma semaphore(%arg27 : memref<!tpu.dma_semaphore, #tpu.memory_space<semaphore_mem>>) src(%dma_wait3A_141 : memref<60000x64xi16, #tpu.memory_space<hbm>>) dst(%arg16 : memref<80x64xi16, #tpu.memory_space<vmem>>)
      %mul3A_142 = arith.constant 10 : i32
      %mul3A_143 = arith.muli %scan3A_23, %mul3A_142 : i32
      %add3A_144 = arith.constant 5 : i32
      %add3A_145 = arith.addi %mul3A_143, %add3A_144 : i32
      "tpu.region"() ({
        %run_scoped3A = tpu.sem_alloc : memref<!tpu.dma_semaphore, #tpu.memory_space<semaphore_mem>>
        %dma_start3A_178 = arith.constant 0 : i32
        %dma_start3A_179 = tpu.memref_slice %arg10[%add3A_145, %dma_start3A_178] : memref<250x80xi32, #tpu.memory_space<vmem>> -> memref<1x80xi32, #tpu.memory_space<vmem>>
        %dma_start3A_180 = tpu.memref_squeeze %dma_start3A_179 : memref<1x80xi32, #tpu.memory_space<vmem>> -> memref<80xi32, #tpu.memory_space<vmem>>
        %dma_start3A_181 = arith.constant 0 : i32
        %dma_start3A_182 = arith.constant 0 : i32
        %dma_start3A_183 = tpu.memref_slice %arg21[%dma_start3A_181, %dma_start3A_182] : memref<10240x64xi16, #tpu.memory_space<vmem_shared>> -> memref<10240x64xi16, #tpu.memory_space<vmem_shared>>
        tpu.enqueue_indirect_dma source(%arg16 : memref<80x64xi16, #tpu.memory_space<vmem>>) target(%dma_start3A_183 : memref<10240x64xi16, #tpu.memory_space<vmem_shared>>) offsets(%dma_start3A_180 : memref<80xi32, #tpu.memory_space<vmem>>) semaphore(%run_scoped3A : memref<!tpu.dma_semaphore, #tpu.memory_space<semaphore_mem>>) {add = true}
        %dma_wait3A_184 = arith.constant 0 : i32
        %dma_wait3A_185 = tpu.memref_slice %arg10[%add3A_145, %dma_wait3A_184] : memref<250x80xi32, #tpu.memory_space<vmem>> -> memref<1x80xi32, #tpu.memory_space<vmem>>
        %dma_wait3A_186 = tpu.memref_squeeze %dma_wait3A_185 : memref<1x80xi32, #tpu.memory_space<vmem>> -> memref<80xi32, #tpu.memory_space<vmem>>
        %dma_wait3A_187 = arith.constant 0 : i32
        %dma_wait3A_188 = arith.constant 0 : i32
        %dma_wait3A_189 = tpu.memref_slice %arg21[%dma_wait3A_187, %dma_wait3A_188] : memref<10240x64xi16, #tpu.memory_space<vmem_shared>> -> memref<10240x64xi16, #tpu.memory_space<vmem_shared>>
        tpu.wait_indirect_dma semaphore(%run_scoped3A : memref<!tpu.dma_semaphore, #tpu.memory_space<semaphore_mem>>) src(%arg16 : memref<80x64xi16, #tpu.memory_space<vmem>>) dst(%dma_wait3A_189 : memref<10240x64xi16, #tpu.memory_space<vmem_shared>>)
        tpu.yield
      }) : () -> ()
      %dma_wait3A_146 = tpu.memref_slice %arg8[%add3A_61] : memref<20000xi32, #tpu.memory_space<vmem>> -> memref<80xi32, #tpu.memory_space<vmem>>
      %dma_wait3A_147 = arith.constant 0 : i32
      %dma_wait3A_148 = arith.constant 0 : i32
      %dma_wait3A_149 = tpu.memref_slice %arg2[%dma_wait3A_147, %dma_wait3A_148] : memref<60000x64xi16, #tpu.memory_space<hbm>> -> memref<60000x64xi16, #tpu.memory_space<hbm>>
      tpu.wait_indirect_dma semaphore(%arg28 : memref<!tpu.dma_semaphore, #tpu.memory_space<semaphore_mem>>) src(%dma_wait3A_149 : memref<60000x64xi16, #tpu.memory_space<hbm>>) dst(%arg17 : memref<80x64xi16, #tpu.memory_space<vmem>>)
      %mul3A_150 = arith.constant 10 : i32
      %mul3A_151 = arith.muli %scan3A_23, %mul3A_150 : i32
      %add3A_152 = arith.constant 6 : i32
      %add3A_153 = arith.addi %mul3A_151, %add3A_152 : i32
      "tpu.region"() ({
        %run_scoped3A = tpu.sem_alloc : memref<!tpu.dma_semaphore, #tpu.memory_space<semaphore_mem>>
        %dma_start3A_178 = arith.constant 0 : i32
        %dma_start3A_179 = tpu.memref_slice %arg10[%add3A_153, %dma_start3A_178] : memref<250x80xi32, #tpu.memory_space<vmem>> -> memref<1x80xi32, #tpu.memory_space<vmem>>
        %dma_start3A_180 = tpu.memref_squeeze %dma_start3A_179 : memref<1x80xi32, #tpu.memory_space<vmem>> -> memref<80xi32, #tpu.memory_space<vmem>>
        %dma_start3A_181 = arith.constant 0 : i32
        %dma_start3A_182 = arith.constant 0 : i32
        %dma_start3A_183 = tpu.memref_slice %arg21[%dma_start3A_181, %dma_start3A_182] : memref<10240x64xi16, #tpu.memory_space<vmem_shared>> -> memref<10240x64xi16, #tpu.memory_space<vmem_shared>>
        tpu.enqueue_indirect_dma source(%arg17 : memref<80x64xi16, #tpu.memory_space<vmem>>) target(%dma_start3A_183 : memref<10240x64xi16, #tpu.memory_space<vmem_shared>>) offsets(%dma_start3A_180 : memref<80xi32, #tpu.memory_space<vmem>>) semaphore(%run_scoped3A : memref<!tpu.dma_semaphore, #tpu.memory_space<semaphore_mem>>) {add = true}
        %dma_wait3A_184 = arith.constant 0 : i32
        %dma_wait3A_185 = tpu.memref_slice %arg10[%add3A_153, %dma_wait3A_184] : memref<250x80xi32, #tpu.memory_space<vmem>> -> memref<1x80xi32, #tpu.memory_space<vmem>>
        %dma_wait3A_186 = tpu.memref_squeeze %dma_wait3A_185 : memref<1x80xi32, #tpu.memory_space<vmem>> -> memref<80xi32, #tpu.memory_space<vmem>>
        %dma_wait3A_187 = arith.constant 0 : i32
        %dma_wait3A_188 = arith.constant 0 : i32
        %dma_wait3A_189 = tpu.memref_slice %arg21[%dma_wait3A_187, %dma_wait3A_188] : memref<10240x64xi16, #tpu.memory_space<vmem_shared>> -> memref<10240x64xi16, #tpu.memory_space<vmem_shared>>
        tpu.wait_indirect_dma semaphore(%run_scoped3A : memref<!tpu.dma_semaphore, #tpu.memory_space<semaphore_mem>>) src(%arg17 : memref<80x64xi16, #tpu.memory_space<vmem>>) dst(%dma_wait3A_189 : memref<10240x64xi16, #tpu.memory_space<vmem_shared>>)
        tpu.yield
      }) : () -> ()
      %dma_wait3A_154 = tpu.memref_slice %arg8[%add3A_67] : memref<20000xi32, #tpu.memory_space<vmem>> -> memref<80xi32, #tpu.memory_space<vmem>>
      %dma_wait3A_155 = arith.constant 0 : i32
      %dma_wait3A_156 = arith.constant 0 : i32
      %dma_wait3A_157 = tpu.memref_slice %arg2[%dma_wait3A_155, %dma_wait3A_156] : memref<60000x64xi16, #tpu.memory_space<hbm>> -> memref<60000x64xi16, #tpu.memory_space<hbm>>
      tpu.wait_indirect_dma semaphore(%arg29 : memref<!tpu.dma_semaphore, #tpu.memory_space<semaphore_mem>>) src(%dma_wait3A_157 : memref<60000x64xi16, #tpu.memory_space<hbm>>) dst(%arg18 : memref<80x64xi16, #tpu.memory_space<vmem>>)
      %mul3A_158 = arith.constant 10 : i32
      %mul3A_159 = arith.muli %scan3A_23, %mul3A_158 : i32
      %add3A_160 = arith.constant 7 : i32
      %add3A_161 = arith.addi %mul3A_159, %add3A_160 : i32
      "tpu.region"() ({
        %run_scoped3A = tpu.sem_alloc : memref<!tpu.dma_semaphore, #tpu.memory_space<semaphore_mem>>
        %dma_start3A_178 = arith.constant 0 : i32
        %dma_start3A_179 = tpu.memref_slice %arg10[%add3A_161, %dma_start3A_178] : memref<250x80xi32, #tpu.memory_space<vmem>> -> memref<1x80xi32, #tpu.memory_space<vmem>>
        %dma_start3A_180 = tpu.memref_squeeze %dma_start3A_179 : memref<1x80xi32, #tpu.memory_space<vmem>> -> memref<80xi32, #tpu.memory_space<vmem>>
        %dma_start3A_181 = arith.constant 0 : i32
        %dma_start3A_182 = arith.constant 0 : i32
        %dma_start3A_183 = tpu.memref_slice %arg21[%dma_start3A_181, %dma_start3A_182] : memref<10240x64xi16, #tpu.memory_space<vmem_shared>> -> memref<10240x64xi16, #tpu.memory_space<vmem_shared>>
        tpu.enqueue_indirect_dma source(%arg18 : memref<80x64xi16, #tpu.memory_space<vmem>>) target(%dma_start3A_183 : memref<10240x64xi16, #tpu.memory_space<vmem_shared>>) offsets(%dma_start3A_180 : memref<80xi32, #tpu.memory_space<vmem>>) semaphore(%run_scoped3A : memref<!tpu.dma_semaphore, #tpu.memory_space<semaphore_mem>>) {add = true}
        %dma_wait3A_184 = arith.constant 0 : i32
        %dma_wait3A_185 = tpu.memref_slice %arg10[%add3A_161, %dma_wait3A_184] : memref<250x80xi32, #tpu.memory_space<vmem>> -> memref<1x80xi32, #tpu.memory_space<vmem>>
        %dma_wait3A_186 = tpu.memref_squeeze %dma_wait3A_185 : memref<1x80xi32, #tpu.memory_space<vmem>> -> memref<80xi32, #tpu.memory_space<vmem>>
        %dma_wait3A_187 = arith.constant 0 : i32
        %dma_wait3A_188 = arith.constant 0 : i32
        %dma_wait3A_189 = tpu.memref_slice %arg21[%dma_wait3A_187, %dma_wait3A_188] : memref<10240x64xi16, #tpu.memory_space<vmem_shared>> -> memref<10240x64xi16, #tpu.memory_space<vmem_shared>>
        tpu.wait_indirect_dma semaphore(%run_scoped3A : memref<!tpu.dma_semaphore, #tpu.memory_space<semaphore_mem>>) src(%arg18 : memref<80x64xi16, #tpu.memory_space<vmem>>) dst(%dma_wait3A_189 : memref<10240x64xi16, #tpu.memory_space<vmem_shared>>)
        tpu.yield
      }) : () -> ()
      %dma_wait3A_162 = tpu.memref_slice %arg8[%add3A_73] : memref<20000xi32, #tpu.memory_space<vmem>> -> memref<80xi32, #tpu.memory_space<vmem>>
      %dma_wait3A_163 = arith.constant 0 : i32
      %dma_wait3A_164 = arith.constant 0 : i32
      %dma_wait3A_165 = tpu.memref_slice %arg2[%dma_wait3A_163, %dma_wait3A_164] : memref<60000x64xi16, #tpu.memory_space<hbm>> -> memref<60000x64xi16, #tpu.memory_space<hbm>>
      tpu.wait_indirect_dma semaphore(%arg30 : memref<!tpu.dma_semaphore, #tpu.memory_space<semaphore_mem>>) src(%dma_wait3A_165 : memref<60000x64xi16, #tpu.memory_space<hbm>>) dst(%arg19 : memref<80x64xi16, #tpu.memory_space<vmem>>)
      %mul3A_166 = arith.constant 10 : i32
      %mul3A_167 = arith.muli %scan3A_23, %mul3A_166 : i32
      %add3A_168 = arith.constant 8 : i32
      %add3A_169 = arith.addi %mul3A_167, %add3A_168 : i32
      "tpu.region"() ({
        %run_scoped3A = tpu.sem_alloc : memref<!tpu.dma_semaphore, #tpu.memory_space<semaphore_mem>>
        %dma_start3A_178 = arith.constant 0 : i32
        %dma_start3A_179 = tpu.memref_slice %arg10[%add3A_169, %dma_start3A_178] : memref<250x80xi32, #tpu.memory_space<vmem>> -> memref<1x80xi32, #tpu.memory_space<vmem>>
        %dma_start3A_180 = tpu.memref_squeeze %dma_start3A_179 : memref<1x80xi32, #tpu.memory_space<vmem>> -> memref<80xi32, #tpu.memory_space<vmem>>
        %dma_start3A_181 = arith.constant 0 : i32
        %dma_start3A_182 = arith.constant 0 : i32
        %dma_start3A_183 = tpu.memref_slice %arg21[%dma_start3A_181, %dma_start3A_182] : memref<10240x64xi16, #tpu.memory_space<vmem_shared>> -> memref<10240x64xi16, #tpu.memory_space<vmem_shared>>
        tpu.enqueue_indirect_dma source(%arg19 : memref<80x64xi16, #tpu.memory_space<vmem>>) target(%dma_start3A_183 : memref<10240x64xi16, #tpu.memory_space<vmem_shared>>) offsets(%dma_start3A_180 : memref<80xi32, #tpu.memory_space<vmem>>) semaphore(%run_scoped3A : memref<!tpu.dma_semaphore, #tpu.memory_space<semaphore_mem>>) {add = true}
        %dma_wait3A_184 = arith.constant 0 : i32
        %dma_wait3A_185 = tpu.memref_slice %arg10[%add3A_169, %dma_wait3A_184] : memref<250x80xi32, #tpu.memory_space<vmem>> -> memref<1x80xi32, #tpu.memory_space<vmem>>
        %dma_wait3A_186 = tpu.memref_squeeze %dma_wait3A_185 : memref<1x80xi32, #tpu.memory_space<vmem>> -> memref<80xi32, #tpu.memory_space<vmem>>
        %dma_wait3A_187 = arith.constant 0 : i32
        %dma_wait3A_188 = arith.constant 0 : i32
        %dma_wait3A_189 = tpu.memref_slice %arg21[%dma_wait3A_187, %dma_wait3A_188] : memref<10240x64xi16, #tpu.memory_space<vmem_shared>> -> memref<10240x64xi16, #tpu.memory_space<vmem_shared>>
        tpu.wait_indirect_dma semaphore(%run_scoped3A : memref<!tpu.dma_semaphore, #tpu.memory_space<semaphore_mem>>) src(%arg19 : memref<80x64xi16, #tpu.memory_space<vmem>>) dst(%dma_wait3A_189 : memref<10240x64xi16, #tpu.memory_space<vmem_shared>>)
        tpu.yield
      }) : () -> ()
      %dma_wait3A_170 = tpu.memref_slice %arg8[%add3A_79] : memref<20000xi32, #tpu.memory_space<vmem>> -> memref<80xi32, #tpu.memory_space<vmem>>
      %dma_wait3A_171 = arith.constant 0 : i32
      %dma_wait3A_172 = arith.constant 0 : i32
      %dma_wait3A_173 = tpu.memref_slice %arg2[%dma_wait3A_171, %dma_wait3A_172] : memref<60000x64xi16, #tpu.memory_space<hbm>> -> memref<60000x64xi16, #tpu.memory_space<hbm>>
      tpu.wait_indirect_dma semaphore(%arg31 : memref<!tpu.dma_semaphore, #tpu.memory_space<semaphore_mem>>) src(%dma_wait3A_173 : memref<60000x64xi16, #tpu.memory_space<hbm>>) dst(%arg20 : memref<80x64xi16, #tpu.memory_space<vmem>>)
      %mul3A_174 = arith.constant 10 : i32
      %mul3A_175 = arith.muli %scan3A_23, %mul3A_174 : i32
      %add3A_176 = arith.constant 9 : i32
      %add3A_177 = arith.addi %mul3A_175, %add3A_176 : i32
      "tpu.region"() ({
        %run_scoped3A = tpu.sem_alloc : memref<!tpu.dma_semaphore, #tpu.memory_space<semaphore_mem>>
        %dma_start3A_178 = arith.constant 0 : i32
        %dma_start3A_179 = tpu.memref_slice %arg10[%add3A_177, %dma_start3A_178] : memref<250x80xi32, #tpu.memory_space<vmem>> -> memref<1x80xi32, #tpu.memory_space<vmem>>
        %dma_start3A_180 = tpu.memref_squeeze %dma_start3A_179 : memref<1x80xi32, #tpu.memory_space<vmem>> -> memref<80xi32, #tpu.memory_space<vmem>>
        %dma_start3A_181 = arith.constant 0 : i32
        %dma_start3A_182 = arith.constant 0 : i32
        %dma_start3A_183 = tpu.memref_slice %arg21[%dma_start3A_181, %dma_start3A_182] : memref<10240x64xi16, #tpu.memory_space<vmem_shared>> -> memref<10240x64xi16, #tpu.memory_space<vmem_shared>>
        tpu.enqueue_indirect_dma source(%arg20 : memref<80x64xi16, #tpu.memory_space<vmem>>) target(%dma_start3A_183 : memref<10240x64xi16, #tpu.memory_space<vmem_shared>>) offsets(%dma_start3A_180 : memref<80xi32, #tpu.memory_space<vmem>>) semaphore(%run_scoped3A : memref<!tpu.dma_semaphore, #tpu.memory_space<semaphore_mem>>) {add = true}
        %dma_wait3A_184 = arith.constant 0 : i32
        %dma_wait3A_185 = tpu.memref_slice %arg10[%add3A_177, %dma_wait3A_184] : memref<250x80xi32, #tpu.memory_space<vmem>> -> memref<1x80xi32, #tpu.memory_space<vmem>>
        %dma_wait3A_186 = tpu.memref_squeeze %dma_wait3A_185 : memref<1x80xi32, #tpu.memory_space<vmem>> -> memref<80xi32, #tpu.memory_space<vmem>>
        %dma_wait3A_187 = arith.constant 0 : i32
        %dma_wait3A_188 = arith.constant 0 : i32
        %dma_wait3A_189 = tpu.memref_slice %arg21[%dma_wait3A_187, %dma_wait3A_188] : memref<10240x64xi16, #tpu.memory_space<vmem_shared>> -> memref<10240x64xi16, #tpu.memory_space<vmem_shared>>
        tpu.wait_indirect_dma semaphore(%run_scoped3A : memref<!tpu.dma_semaphore, #tpu.memory_space<semaphore_mem>>) src(%arg20 : memref<80x64xi16, #tpu.memory_space<vmem>>) dst(%dma_wait3A_189 : memref<10240x64xi16, #tpu.memory_space<vmem_shared>>)
        tpu.yield
      }) : () -> ()
    }
    %scan3A_17 = arith.constant 25 : i32
    %barrier3A_18 = arith.constant 0 : index
    tpu.barrier barrier_id(%barrier3A_18)
    %mul3A_19 = arith.constant 640 : i32
    %mul3A_20 = arith.muli %arg1, %mul3A_19 : i32
    %mul3A_21 = arith.constant 640 : i32
    %mul3A_22 = arith.muli %arg1, %mul3A_21 : i32
    "tpu.region"() ({
      %run_scoped3A = tpu.sem_alloc : memref<!tpu.dma_semaphore, #tpu.memory_space<semaphore_mem>>
      %dma_start3A = arith.constant 0 : i32
      %dma_start3A_23 = tpu.memref_slice %arg7[%arg0, %mul3A_22, %dma_start3A] : memref<2x10240x64xi16, #tpu.memory_space<hbm>> -> memref<1x640x64xi16, #tpu.memory_space<hbm>>
      %dma_start3A_24 = tpu.memref_squeeze %dma_start3A_23 : memref<1x640x64xi16, #tpu.memory_space<hbm>> -> memref<640x64xi16, #tpu.memory_space<hbm>>
      %dma_start3A_25 = arith.constant 0 : i32
      %dma_start3A_26 = tpu.memref_slice %arg21[%mul3A_20, %dma_start3A_25] : memref<10240x64xi16, #tpu.memory_space<vmem_shared>> -> memref<640x64xi16, #tpu.memory_space<vmem_shared>>
      tpu.enqueue_dma source(%dma_start3A_26 : memref<640x64xi16, #tpu.memory_space<vmem_shared>>) target(%dma_start3A_24 : memref<640x64xi16, #tpu.memory_space<hbm>>) target_semaphore(%run_scoped3A : memref<!tpu.dma_semaphore, #tpu.memory_space<semaphore_mem>>)
      %dma_wait3A = arith.constant 0 : i32
      %dma_wait3A_27 = tpu.memref_slice %arg7[%arg0, %mul3A_22, %dma_wait3A] : memref<2x10240x64xi16, #tpu.memory_space<hbm>> -> memref<1x640x64xi16, #tpu.memory_space<hbm>>
      %dma_wait3A_28 = tpu.memref_squeeze %dma_wait3A_27 : memref<1x640x64xi16, #tpu.memory_space<hbm>> -> memref<640x64xi16, #tpu.memory_space<hbm>>
      %dma_wait3A_29 = arith.constant 0 : i32
      %dma_wait3A_30 = tpu.memref_slice %arg21[%mul3A_20, %dma_wait3A_29] : memref<10240x64xi16, #tpu.memory_space<vmem_shared>> -> memref<640x64xi16, #tpu.memory_space<vmem_shared>>
      tpu.wait_dma2 semaphore(%run_scoped3A : memref<!tpu.dma_semaphore, #tpu.memory_space<semaphore_mem>>) src(%dma_wait3A_30 : memref<640x64xi16, #tpu.memory_space<vmem_shared>>) dst(%dma_wait3A_28 : memref<640x64xi16, #tpu.memory_space<hbm>>)
      tpu.yield
    }) : () -> ()
    return
  }
}

module attributes {stable_mosaic.version = 14 : i64} {
  func.func @_proj_body(%arg0: i32, %arg1: memref<2000x128xf32, #tpu.memory_space<vmem>>, %arg2: memref<3x128x64xf32, #tpu.memory_space<vmem>>, %arg3: memref<3x128x64xf32, #tpu.memory_space<vmem>>, %arg4: memref<3x2000x128xi16, #tpu.memory_space<vmem>>) attributes {dimension_semantics = [#tpu.dimension_semantics<arbitrary>], iteration_bounds = array<i64: 5>, scalar_prefetch = 0 : i64, scratch_operands = 0 : i64, tpu.core_type = #tpu.core_type<tc>, window_params = [{transform_indices = @transform_0, window_bounds = array<i64: 2000, 128>}, {pipeline_mode = #tpu.pipeline_mode<synchronous>, transform_indices = @transform_1, window_bounds = array<i64: 3, 128, 64>}, {pipeline_mode = #tpu.pipeline_mode<synchronous>, transform_indices = @transform_2, window_bounds = array<i64: 3, 128, 64>}, {transform_indices = @transform_3, window_bounds = array<i64: 3, 2000, 128>}]} {
    %get3A = arith.constant 0 : index
    %get3A_0 = arith.constant 0 : index
    %get3A_1 = vector.load %arg1[%get3A, %get3A_0] : memref<2000x128xf32, #tpu.memory_space<vmem>>, vector<2000x128xf32>
    %get3A_2 = arith.constant 0 : index
    %get3A_3 = arith.constant 0 : index
    %get3A_4 = arith.constant 0 : index
    %get3A_5 = vector.load %arg2[%get3A_2, %get3A_3, %get3A_4] : memref<3x128x64xf32, #tpu.memory_space<vmem>>, vector<1x128x64xf32>
    %get3A_6 = vector.shape_cast %get3A_5 : vector<1x128x64xf32> to vector<128x64xf32>
    %dot_general3A = arith.constant dense<0.000000e+00> : vector<2000x64xf32>
    %dot_general3A_7 = tpu.matmul %get3A_1, %get3A_6, %dot_general3A {dimension_numbers = #tpu.dot_dimension_numbers<[1], [0], [0], [1], [0, 0, 1, 1], [], []>, transpose_lhs_hint = false} : vector<2000x128xf32>, vector<128x64xf32>, vector<2000x64xf32> -> vector<2000x64xf32>
    %get3A_8 = arith.constant 0 : index
    %get3A_9 = arith.constant 0 : index
    %get3A_10 = arith.constant 0 : index
    %get3A_11 = vector.load %arg3[%get3A_8, %get3A_9, %get3A_10] : memref<3x128x64xf32, #tpu.memory_space<vmem>>, vector<1x128x64xf32>
    %get3A_12 = vector.shape_cast %get3A_11 : vector<1x128x64xf32> to vector<128x64xf32>
    %dot_general3A_13 = arith.constant dense<0.000000e+00> : vector<2000x64xf32>
    %dot_general3A_14 = tpu.matmul %get3A_1, %get3A_12, %dot_general3A_13 {dimension_numbers = #tpu.dot_dimension_numbers<[1], [0], [0], [1], [0, 0, 1, 1], [], []>, transpose_lhs_hint = false} : vector<2000x128xf32>, vector<128x64xf32>, vector<2000x64xf32> -> vector<2000x64xf32>
    %concatenate3A = tpu.concatenate %dot_general3A_7, %dot_general3A_14 in 1 : vector<2000x64xf32>, vector<2000x64xf32> -> vector<2000x128xf32>
    %mul3A = arith.constant 5.120000e+02 : f32
    %mul3A_15 = vector.broadcast %mul3A : f32 to vector<2000x128xf32>
    %mul3A_16 = arith.mulf %concatenate3A, %mul3A_15 : vector<2000x128xf32>
    %round3A = math.roundeven %mul3A_16 : vector<2000x128xf32>
    %convert_element_type3A = arith.fptosi %round3A : vector<2000x128xf32> to vector<2000x128xi16>
    %swap3A = arith.constant 0 : index
    %swap3A_17 = arith.constant 0 : index
    %swap3A_18 = arith.constant 0 : index
    %swap3A_19 = vector.load %arg4[%swap3A, %swap3A_17, %swap3A_18] : memref<3x2000x128xi16, #tpu.memory_space<vmem>>, vector<1x2000x128xi16>
    %swap3A_20 = vector.shape_cast %swap3A_19 : vector<1x2000x128xi16> to vector<2000x128xi16>
    %swap3A_21 = vector.shape_cast %convert_element_type3A : vector<2000x128xi16> to vector<1x2000x128xi16>
    tpu.vector_store %arg4[%swap3A, %swap3A_17, %swap3A_18], %swap3A_21 {strides = array<i32>} : memref<3x2000x128xi16, #tpu.memory_space<vmem>>, vector<1x2000x128xi16>,
    %get3A_22 = arith.constant 1 : index
    %get3A_23 = arith.constant 0 : index
    %get3A_24 = arith.constant 0 : index
    %get3A_25 = vector.load %arg2[%get3A_22, %get3A_23, %get3A_24] : memref<3x128x64xf32, #tpu.memory_space<vmem>>, vector<1x128x64xf32>
    %get3A_26 = vector.shape_cast %get3A_25 : vector<1x128x64xf32> to vector<128x64xf32>
    %dot_general3A_27 = arith.constant dense<0.000000e+00> : vector<2000x64xf32>
    %dot_general3A_28 = tpu.matmul %get3A_1, %get3A_26, %dot_general3A_27 {dimension_numbers = #tpu.dot_dimension_numbers<[1], [0], [0], [1], [0, 0, 1, 1], [], []>, transpose_lhs_hint = false} : vector<2000x128xf32>, vector<128x64xf32>, vector<2000x64xf32> -> vector<2000x64xf32>
    %get3A_29 = arith.constant 1 : index
    %get3A_30 = arith.constant 0 : index
    %get3A_31 = arith.constant 0 : index
    %get3A_32 = vector.load %arg3[%get3A_29, %get3A_30, %get3A_31] : memref<3x128x64xf32, #tpu.memory_space<vmem>>, vector<1x128x64xf32>
    %get3A_33 = vector.shape_cast %get3A_32 : vector<1x128x64xf32> to vector<128x64xf32>
    %dot_general3A_34 = arith.constant dense<0.000000e+00> : vector<2000x64xf32>
    %dot_general3A_35 = tpu.matmul %get3A_1, %get3A_33, %dot_general3A_34 {dimension_numbers = #tpu.dot_dimension_numbers<[1], [0], [0], [1], [0, 0, 1, 1], [], []>, transpose_lhs_hint = false} : vector<2000x128xf32>, vector<128x64xf32>, vector<2000x64xf32> -> vector<2000x64xf32>
    %concatenate3A_36 = tpu.concatenate %dot_general3A_28, %dot_general3A_35 in 1 : vector<2000x64xf32>, vector<2000x64xf32> -> vector<2000x128xf32>
    %mul3A_37 = arith.constant 5.120000e+02 : f32
    %mul3A_38 = vector.broadcast %mul3A_37 : f32 to vector<2000x128xf32>
    %mul3A_39 = arith.mulf %concatenate3A_36, %mul3A_38 : vector<2000x128xf32>
    %round3A_40 = math.roundeven %mul3A_39 : vector<2000x128xf32>
    %convert_element_type3A_41 = arith.fptosi %round3A_40 : vector<2000x128xf32> to vector<2000x128xi16>
    %swap3A_42 = arith.constant 1 : index
    %swap3A_43 = arith.constant 0 : index
    %swap3A_44 = arith.constant 0 : index
    %swap3A_45 = vector.load %arg4[%swap3A_42, %swap3A_43, %swap3A_44] : memref<3x2000x128xi16, #tpu.memory_space<vmem>>, vector<1x2000x128xi16>
    %swap3A_46 = vector.shape_cast %swap3A_45 : vector<1x2000x128xi16> to vector<2000x128xi16>
    %swap3A_47 = vector.shape_cast %convert_element_type3A_41 : vector<2000x128xi16> to vector<1x2000x128xi16>
    tpu.vector_store %arg4[%swap3A_42, %swap3A_43, %swap3A_44], %swap3A_47 {strides = array<i32>} : memref<3x2000x128xi16, #tpu.memory_space<vmem>>, vector<1x2000x128xi16>,
    %get3A_48 = arith.constant 2 : index
    %get3A_49 = arith.constant 0 : index
    %get3A_50 = arith.constant 0 : index
    %get3A_51 = vector.load %arg2[%get3A_48, %get3A_49, %get3A_50] : memref<3x128x64xf32, #tpu.memory_space<vmem>>, vector<1x128x64xf32>
    %get3A_52 = vector.shape_cast %get3A_51 : vector<1x128x64xf32> to vector<128x64xf32>
    %dot_general3A_53 = arith.constant dense<0.000000e+00> : vector<2000x64xf32>
    %dot_general3A_54 = tpu.matmul %get3A_1, %get3A_52, %dot_general3A_53 {dimension_numbers = #tpu.dot_dimension_numbers<[1], [0], [0], [1], [0, 0, 1, 1], [], []>, transpose_lhs_hint = false} : vector<2000x128xf32>, vector<128x64xf32>, vector<2000x64xf32> -> vector<2000x64xf32>
    %get3A_55 = arith.constant 2 : index
    %get3A_56 = arith.constant 0 : index
    %get3A_57 = arith.constant 0 : index
    %get3A_58 = vector.load %arg3[%get3A_55, %get3A_56, %get3A_57] : memref<3x128x64xf32, #tpu.memory_space<vmem>>, vector<1x128x64xf32>
    %get3A_59 = vector.shape_cast %get3A_58 : vector<1x128x64xf32> to vector<128x64xf32>
    %dot_general3A_60 = arith.constant dense<0.000000e+00> : vector<2000x64xf32>
    %dot_general3A_61 = tpu.matmul %get3A_1, %get3A_59, %dot_general3A_60 {dimension_numbers = #tpu.dot_dimension_numbers<[1], [0], [0], [1], [0, 0, 1, 1], [], []>, transpose_lhs_hint = false} : vector<2000x128xf32>, vector<128x64xf32>, vector<2000x64xf32> -> vector<2000x64xf32>
    %concatenate3A_62 = tpu.concatenate %dot_general3A_54, %dot_general3A_61 in 1 : vector<2000x64xf32>, vector<2000x64xf32> -> vector<2000x128xf32>
    %mul3A_63 = arith.constant 5.120000e+02 : f32
    %mul3A_64 = vector.broadcast %mul3A_63 : f32 to vector<2000x128xf32>
    %mul3A_65 = arith.mulf %concatenate3A_62, %mul3A_64 : vector<2000x128xf32>
    %round3A_66 = math.roundeven %mul3A_65 : vector<2000x128xf32>
    %convert_element_type3A_67 = arith.fptosi %round3A_66 : vector<2000x128xf32> to vector<2000x128xi16>
    %swap3A_68 = arith.constant 2 : index
    %swap3A_69 = arith.constant 0 : index
    %swap3A_70 = arith.constant 0 : index
    %swap3A_71 = vector.load %arg4[%swap3A_68, %swap3A_69, %swap3A_70] : memref<3x2000x128xi16, #tpu.memory_space<vmem>>, vector<1x2000x128xi16>
    %swap3A_72 = vector.shape_cast %swap3A_71 : vector<1x2000x128xi16> to vector<2000x128xi16>
    %swap3A_73 = vector.shape_cast %convert_element_type3A_67 : vector<2000x128xi16> to vector<1x2000x128xi16>
    tpu.vector_store %arg4[%swap3A_68, %swap3A_69, %swap3A_70], %swap3A_73 {strides = array<i32>} : memref<3x2000x128xi16, #tpu.memory_space<vmem>>, vector<1x2000x128xi16>,
    return
  }
  func.func @transform_0(%arg0: i32) -> (i32, i32) {
    %c0_i32 = arith.constant 0 : i32
    %c0_i32_0 = arith.constant 0 : i32
    return %arg0, %c0_i32 : i32, i32
  }
  func.func @transform_1(%arg0: i32) -> (i32, i32, i32) {
    %c0_i32 = arith.constant 0 : i32
    %c0_i32_0 = arith.constant 0 : i32
    %c0_i32_1 = arith.constant 0 : i32
    %c0_i32_2 = arith.constant 0 : i32
    return %c0_i32, %c0_i32_0, %c0_i32_1 : i32, i32, i32
  }
  func.func @transform_2(%arg0: i32) -> (i32, i32, i32) {
    %c0_i32 = arith.constant 0 : i32
    %c0_i32_0 = arith.constant 0 : i32
    %c0_i32_1 = arith.constant 0 : i32
    %c0_i32_2 = arith.constant 0 : i32
    return %c0_i32, %c0_i32_0, %c0_i32_1 : i32, i32, i32
  }
  func.func @transform_3(%arg0: i32) -> (i32, i32, i32) {
    %c0_i32 = arith.constant 0 : i32
    %c0_i32_0 = arith.constant 0 : i32
    %c0_i32_1 = arith.constant 0 : i32
    return %c0_i32, %arg0, %c0_i32_0 : i32, i32, i32
  }
}

module attributes {stable_mosaic.version = 14 : i64} {
  func.func @_pre_body(%arg0: i32, %arg1: memref<2000x128xf32, #tpu.memory_space<vmem>>, %arg2: memref<128x64xf32, #tpu.memory_space<vmem>>, %arg3: memref<128x64xf32, #tpu.memory_space<vmem>>, %arg4: memref<2000x128xf32, #tpu.memory_space<vmem>>) attributes {dimension_semantics = [#tpu.dimension_semantics<arbitrary>], iteration_bounds = array<i64: 5>, scalar_prefetch = 0 : i64, scratch_operands = 0 : i64, tpu.core_type = #tpu.core_type<tc>, window_params = [{transform_indices = @transform_0, window_bounds = array<i64: 2000, 128>}, {pipeline_mode = #tpu.pipeline_mode<synchronous>, transform_indices = @transform_1, window_bounds = array<i64: 128, 64>}, {pipeline_mode = #tpu.pipeline_mode<synchronous>, transform_indices = @transform_2, window_bounds = array<i64: 128, 64>}, {transform_indices = @transform_3, window_bounds = array<i64: 2000, 128>}]} {
    %get3A = arith.constant 0 : index
    %get3A_0 = arith.constant 0 : index
    %get3A_1 = vector.load %arg1[%get3A, %get3A_0] : memref<2000x128xf32, #tpu.memory_space<vmem>>, vector<2000x128xf32>
    %get3A_2 = arith.constant 0 : index
    %get3A_3 = arith.constant 0 : index
    %get3A_4 = vector.load %arg2[%get3A_2, %get3A_3] : memref<128x64xf32, #tpu.memory_space<vmem>>, vector<128x64xf32>
    %dot_general3A = arith.constant dense<0.000000e+00> : vector<2000x64xf32>
    %dot_general3A_5 = tpu.matmul %get3A_1, %get3A_4, %dot_general3A {dimension_numbers = #tpu.dot_dimension_numbers<[1], [0], [0], [1], [0, 0, 1, 1], [], []>, transpose_lhs_hint = false} : vector<2000x128xf32>, vector<128x64xf32>, vector<2000x64xf32> -> vector<2000x64xf32>
    %get3A_6 = arith.constant 0 : index
    %get3A_7 = arith.constant 0 : index
    %get3A_8 = vector.load %arg3[%get3A_6, %get3A_7] : memref<128x64xf32, #tpu.memory_space<vmem>>, vector<128x64xf32>
    %dot_general3A_9 = arith.constant dense<0.000000e+00> : vector<2000x64xf32>
    %dot_general3A_10 = tpu.matmul %get3A_1, %get3A_8, %dot_general3A_9 {dimension_numbers = #tpu.dot_dimension_numbers<[1], [0], [0], [1], [0, 0, 1, 1], [], []>, transpose_lhs_hint = false} : vector<2000x128xf32>, vector<128x64xf32>, vector<2000x64xf32> -> vector<2000x64xf32>
    %concatenate3A = tpu.concatenate %dot_general3A_5, %dot_general3A_10 in 1 : vector<2000x64xf32>, vector<2000x64xf32> -> vector<2000x128xf32>
    %swap3A = arith.constant 0 : index
    %swap3A_11 = arith.constant 0 : index
    %swap3A_12 = vector.load %arg4[%swap3A, %swap3A_11] : memref<2000x128xf32, #tpu.memory_space<vmem>>, vector<2000x128xf32>
    tpu.vector_store %arg4[%swap3A, %swap3A_11], %concatenate3A {strides = array<i32>} : memref<2000x128xf32, #tpu.memory_space<vmem>>, vector<2000x128xf32>,
    return
  }
  func.func @transform_0(%arg0: i32) -> (i32, i32) {
    %c0_i32 = arith.constant 0 : i32
    %c0_i32_0 = arith.constant 0 : i32
    return %arg0, %c0_i32 : i32, i32
  }
  func.func @transform_1(%arg0: i32) -> (i32, i32) {
    %c0_i32 = arith.constant 0 : i32
    %c0_i32_0 = arith.constant 0 : i32
    %c0_i32_1 = arith.constant 0 : i32
    return %c0_i32, %c0_i32_0 : i32, i32
  }
  func.func @transform_2(%arg0: i32) -> (i32, i32) {
    %c0_i32 = arith.constant 0 : i32
    %c0_i32_0 = arith.constant 0 : i32
    %c0_i32_1 = arith.constant 0 : i32
    return %c0_i32, %c0_i32_0 : i32, i32
  }
  func.func @transform_3(%arg0: i32) -> (i32, i32) {
    %c0_i32 = arith.constant 0 : i32
    %c0_i32_0 = arith.constant 0 : i32
    return %arg0, %c0_i32 : i32, i32
  }
}

module attributes {stable_mosaic.version = 14 : i64} {
  func.func @_tail_body(%arg0: i32, %arg1: memref<2000x128xf32, #tpu.memory_space<vmem>>, %arg2: memref<2x2000x64xi16, #tpu.memory_space<vmem>>, %arg3: memref<64x64xf32, #tpu.memory_space<vmem>>, %arg4: memref<1x64xf32, #tpu.memory_space<vmem>>, %arg5: memref<64x2xf32, #tpu.memory_space<vmem>>, %arg6: memref<64x64xf32, #tpu.memory_space<vmem>>, %arg7: memref<1x64xf32, #tpu.memory_space<vmem>>, %arg8: memref<64x2xf32, #tpu.memory_space<vmem>>, %arg9: memref<1x2xf32, #tpu.memory_space<vmem>>, %arg10: memref<2000x1xi32, #tpu.memory_space<vmem>>, %arg11: memref<2000x1xi32, #tpu.memory_space<vmem>>, %arg12: memref<2000x1xf32, #tpu.memory_space<vmem>>, %arg13: memref<1x128xf32, #tpu.memory_space<vmem>>) attributes {dimension_semantics = [#tpu.dimension_semantics<arbitrary>], iteration_bounds = array<i64: 5>, scalar_prefetch = 0 : i64, scratch_operands = 0 : i64, tpu.core_type = #tpu.core_type<tc>, window_params = [{transform_indices = @transform_0, window_bounds = array<i64: 2000, 128>}, {transform_indices = @transform_1, window_bounds = array<i64: 2, 2000, 64>}, {pipeline_mode = #tpu.pipeline_mode<synchronous>, transform_indices = @transform_2, window_bounds = array<i64: 64, 64>}, {pipeline_mode = #tpu.pipeline_mode<synchronous>, transform_indices = @transform_3, window_bounds = array<i64: 1, 64>}, {pipeline_mode = #tpu.pipeline_mode<synchronous>, transform_indices = @transform_4, window_bounds = array<i64: 64, 2>}, {pipeline_mode = #tpu.pipeline_mode<synchronous>, transform_indices = @transform_5, window_bounds = array<i64: 64, 64>}, {pipeline_mode = #tpu.pipeline_mode<synchronous>, transform_indices = @transform_6, window_bounds = array<i64: 1, 64>}, {pipeline_mode = #tpu.pipeline_mode<synchronous>, transform_indices = @transform_7, window_bounds = array<i64: 64, 2>}, {pipeline_mode = #tpu.pipeline_mode<synchronous>, transform_indices = @transform_8, window_bounds = array<i64: 1, 2>}, {transform_indices = @transform_9, window_bounds = array<i64: 2000, 1>}, {transform_indices = @transform_10, window_bounds = array<i64: 2000, 1>}, {transform_indices = @transform_11, window_bounds = array<i64: 2000, 1>}, {pipeline_mode = #tpu.pipeline_mode<synchronous>, transform_indices = @transform_12, window_bounds = array<i64: 1, 128>}]} {
    %get3A = arith.constant 0 : index
    %get3A_0 = arith.constant 0 : index
    %get3A_1 = arith.constant 0 : index
    %get3A_2 = vector.load %arg2[%get3A, %get3A_0, %get3A_1] : memref<2x2000x64xi16, #tpu.memory_space<vmem>>, vector<1x2000x64xi16>
    %get3A_3 = vector.shape_cast %get3A_2 : vector<1x2000x64xi16> to vector<2000x64xi16>
    %convert_element_type3A = arith.sitofp %get3A_3 : vector<2000x64xi16> to vector<2000x64xf32>
    %mul3A = arith.constant 0.001953125 : f32
    %mul3A_4 = vector.broadcast %mul3A : f32 to vector<2000x64xf32>
    %mul3A_5 = arith.mulf %convert_element_type3A, %mul3A_4 : vector<2000x64xf32>
    %get3A_6 = arith.constant 1 : index
    %get3A_7 = arith.constant 0 : index
    %get3A_8 = arith.constant 0 : index
    %get3A_9 = vector.load %arg2[%get3A_6, %get3A_7, %get3A_8] : memref<2x2000x64xi16, #tpu.memory_space<vmem>>, vector<1x2000x64xi16>
    %get3A_10 = vector.shape_cast %get3A_9 : vector<1x2000x64xi16> to vector<2000x64xi16>
    %convert_element_type3A_11 = arith.sitofp %get3A_10 : vector<2000x64xi16> to vector<2000x64xf32>
    %mul3A_12 = arith.constant 0.001953125 : f32
    %mul3A_13 = vector.broadcast %mul3A_12 : f32 to vector<2000x64xf32>
    %mul3A_14 = arith.mulf %convert_element_type3A_11, %mul3A_13 : vector<2000x64xf32>
    %get3A_15 = arith.constant 0 : index
    %get3A_16 = arith.constant 0 : index
    %get3A_17 = vector.load %arg1[%get3A_15, %get3A_16] : memref<2000x128xf32, #tpu.memory_space<vmem>>, vector<2000x64xf32>
    %add3A = arith.addf %get3A_17, %mul3A_5 : vector<2000x64xf32>
    %max3A = arith.constant 0.000000e+00 : f32
    %max3A_18 = vector.broadcast %max3A : f32 to vector<2000x64xf32>
    %max3A_19 = arith.maximumf %add3A, %max3A_18 : vector<2000x64xf32>
    %get3A_20 = arith.constant 0 : index
    %get3A_21 = arith.constant 64 : index
    %get3A_22 = vector.load %arg1[%get3A_20, %get3A_21] : memref<2000x128xf32, #tpu.memory_space<vmem>>, vector<2000x64xf32>
    %add3A_23 = arith.addf %get3A_22, %mul3A_14 : vector<2000x64xf32>
    %max3A_24 = arith.constant 0.000000e+00 : f32
    %max3A_25 = vector.broadcast %max3A_24 : f32 to vector<2000x64xf32>
    %max3A_26 = arith.maximumf %add3A_23, %max3A_25 : vector<2000x64xf32>
    %get3A_27 = arith.constant 0 : index
    %get3A_28 = arith.constant 0 : index
    %get3A_29 = vector.load %arg3[%get3A_27, %get3A_28] : memref<64x64xf32, #tpu.memory_space<vmem>>, vector<64x64xf32>
    %dot_general3A = arith.constant dense<0.000000e+00> : vector<2000x64xf32>
    %dot_general3A_30 = tpu.matmul %max3A_19, %get3A_29, %dot_general3A {dimension_numbers = #tpu.dot_dimension_numbers<[1], [0], [0], [1], [0, 0, 1, 1], [], []>, transpose_lhs_hint = false} : vector<2000x64xf32>, vector<64x64xf32>, vector<2000x64xf32> -> vector<2000x64xf32>
    %get3A_31 = arith.constant 0 : index
    %get3A_32 = arith.constant 0 : index
    %get3A_33 = vector.load %arg4[%get3A_31, %get3A_32] : memref<1x64xf32, #tpu.memory_space<vmem>>, vector<1x64xf32>
    %add3A_34 = vector.broadcast %get3A_33 : vector<1x64xf32> to vector<2000x64xf32>
    %add3A_35 = arith.addf %dot_general3A_30, %add3A_34 : vector<2000x64xf32>
    %max3A_36 = arith.constant 0.000000e+00 : f32
    %max3A_37 = vector.broadcast %max3A_36 : f32 to vector<2000x64xf32>
    %max3A_38 = arith.maximumf %add3A_35, %max3A_37 : vector<2000x64xf32>
    %get3A_39 = arith.constant 0 : index
    %get3A_40 = arith.constant 0 : index
    %get3A_41 = vector.load %arg6[%get3A_39, %get3A_40] : memref<64x64xf32, #tpu.memory_space<vmem>>, vector<64x64xf32>
    %dot_general3A_42 = arith.constant dense<0.000000e+00> : vector<2000x64xf32>
    %dot_general3A_43 = tpu.matmul %max3A_26, %get3A_41, %dot_general3A_42 {dimension_numbers = #tpu.dot_dimension_numbers<[1], [0], [0], [1], [0, 0, 1, 1], [], []>, transpose_lhs_hint = false} : vector<2000x64xf32>, vector<64x64xf32>, vector<2000x64xf32> -> vector<2000x64xf32>
    %get3A_44 = arith.constant 0 : index
    %get3A_45 = arith.constant 0 : index
    %get3A_46 = vector.load %arg7[%get3A_44, %get3A_45] : memref<1x64xf32, #tpu.memory_space<vmem>>, vector<1x64xf32>
    %add3A_47 = vector.broadcast %get3A_46 : vector<1x64xf32> to vector<2000x64xf32>
    %add3A_48 = arith.addf %dot_general3A_43, %add3A_47 : vector<2000x64xf32>
    %max3A_49 = arith.constant 0.000000e+00 : f32
    %max3A_50 = vector.broadcast %max3A_49 : f32 to vector<2000x64xf32>
    %max3A_51 = arith.maximumf %add3A_48, %max3A_50 : vector<2000x64xf32>
    %concatenate3A = tpu.concatenate %max3A_38, %max3A_51 in 1 : vector<2000x64xf32>, vector<2000x64xf32> -> vector<2000x128xf32>
    %get3A_52 = arith.constant 0 : index
    %get3A_53 = arith.constant 0 : index
    %get3A_54 = vector.load %arg5[%get3A_52, %get3A_53] : memref<64x2xf32, #tpu.memory_space<vmem>>, vector<64x2xf32>
    %get3A_55 = arith.constant 0 : index
    %get3A_56 = arith.constant 0 : index
    %get3A_57 = vector.load %arg8[%get3A_55, %get3A_56] : memref<64x2xf32, #tpu.memory_space<vmem>>, vector<64x2xf32>
    %concatenate3A_58 = tpu.concatenate %get3A_54, %get3A_57 in 0 : vector<64x2xf32>, vector<64x2xf32> -> vector<128x2xf32>
    %dot_general3A_59 = arith.constant dense<0.000000e+00> : vector<2000x2xf32>
    %dot_general3A_60 = tpu.matmul %concatenate3A, %concatenate3A_58, %dot_general3A_59 {dimension_numbers = #tpu.dot_dimension_numbers<[1], [0], [0], [1], [0, 0, 1, 1], [], []>, transpose_lhs_hint = false} : vector<2000x128xf32>, vector<128x2xf32>, vector<2000x2xf32> -> vector<2000x2xf32>
    %get3A_61 = arith.constant 0 : index
    %get3A_62 = arith.constant 0 : index
    %get3A_63 = vector.load %arg9[%get3A_61, %get3A_62] : memref<1x2xf32, #tpu.memory_space<vmem>>, vector<1x2xf32>
    %add3A_64 = vector.broadcast %get3A_63 : vector<1x2xf32> to vector<2000x2xf32>
    %add3A_65 = arith.addf %dot_general3A_60, %add3A_64 : vector<2000x2xf32>
    %slice3A = vector.extract_strided_slice %add3A_65 {offsets = [0, 0], sizes = [2000, 1], strides = [1, 1]} : vector<2000x2xf32> to vector<2000x1xf32>
    %slice3A_66 = vector.extract_strided_slice %add3A_65 {offsets = [0, 1], sizes = [2000, 1], strides = [1, 1]} : vector<2000x2xf32> to vector<2000x1xf32>
    %get3A_67 = arith.constant 0 : index
    %get3A_68 = arith.constant 0 : index
    %get3A_69 = vector.load %arg10[%get3A_67, %get3A_68] : memref<2000x1xi32, #tpu.memory_space<vmem>>, vector<2000x1xi32>
    %eq3A = arith.constant 0 : i32
    %eq3A_70 = vector.broadcast %eq3A : i32 to vector<2000x1xi32>
    %eq3A_71 = arith.cmpi eq, %get3A_69, %eq3A_70 : vector<2000x1xi32>
    %get3A_72 = arith.constant 0 : index
    %get3A_73 = arith.constant 0 : index
    %get3A_74 = vector.load %arg12[%get3A_72, %get3A_73] : memref<2000x1xf32, #tpu.memory_space<vmem>>, vector<2000x1xf32>
    %mul3A_75 = arith.mulf %slice3A, %get3A_74 : vector<2000x1xf32>
    %jit3A = arith.constant 0.000000e+00 : f32
    %broadcast_in_dim3A = vector.broadcast %jit3A : f32 to vector<2000x1xf32>
    %select_n3A = arith.select %eq3A_71, %mul3A_75, %broadcast_in_dim3A : vector<2000x1xi1>, vector<2000x1xf32>
    %add3A_76 = arith.addf %select_n3A, %slice3A_66 : vector<2000x1xf32>
    %iota3A = tpu.iota {dimensions = array<i32: 1>} : vector<2000x128xi32>
    %get3A_77 = arith.constant 0 : index
    %get3A_78 = arith.constant 0 : index
    %get3A_79 = vector.load %arg11[%get3A_77, %get3A_78] : memref<2000x1xi32, #tpu.memory_space<vmem>>, vector<2000x1xi32>
    %eq3A_80 = vector.broadcast %get3A_79 : vector<2000x1xi32> to vector<2000x128xi32>
    %eq3A_81 = arith.cmpi eq, %eq3A_80, %iota3A : vector<2000x128xi32>
    %jit3A_82 = arith.constant 0.000000e+00 : f32
    %broadcast_in_dim3A_83 = vector.shape_cast %add3A_76 : vector<2000x1xf32> to vector<2000x1xf32>
    %broadcast_in_dim3A_84 = vector.broadcast %broadcast_in_dim3A_83 : vector<2000x1xf32> to vector<2000x128xf32>
    %broadcast_in_dim3A_85 = vector.broadcast %jit3A_82 : f32 to vector<2000x128xf32>
    %select_n3A_86 = arith.select %eq3A_81, %broadcast_in_dim3A_84, %broadcast_in_dim3A_85 : vector<2000x128xi1>, vector<2000x128xf32>
    %reduce_sum3A = arith.constant dense<0.000000e+00> : vector<128xf32>
    %reduce_sum3A_87 = vector.multi_reduction <add>, %select_n3A_86, %reduce_sum3A [0] : vector<2000x128xf32> to vector<128xf32>
    %eq3A_88 = arith.constant 0 : i32
    %eq3A_89 = arith.cmpi eq, %arg0, %eq3A_88 : i32
    %convert_element_type3A_90 = arith.extui %eq3A_89 : i1 to i32
    %cond3A = arith.constant 0 : i32
    %cond3A_91 = arith.cmpi ne, %convert_element_type3A_90, %cond3A : i32
    scf.if %cond3A_91 {
      %broadcast_in_dim3A_99 = arith.constant 0.000000e+00 : f32
      %broadcast_in_dim3A_100 = vector.broadcast %broadcast_in_dim3A_99 : f32 to vector<1x128xf32>
      %swap3A_101 = arith.constant 0 : index
      %swap3A_102 = arith.constant 0 : index
      %swap3A_103 = vector.load %arg13[%swap3A_101, %swap3A_102] : memref<1x128xf32, #tpu.memory_space<vmem>>, vector<1x128xf32>
      tpu.vector_store %arg13[%swap3A_101, %swap3A_102], %broadcast_in_dim3A_100 {strides = array<i32>} : memref<1x128xf32, #tpu.memory_space<vmem>>, vector<1x128xf32>,
    } else {
    }
    %get3A_92 = arith.constant 0 : index
    %get3A_93 = arith.constant 0 : index
    %get3A_94 = vector.load %arg13[%get3A_92, %get3A_93] : memref<1x128xf32, #tpu.memory_space<vmem>>, vector<1x128xf32>
    %broadcast_in_dim3A_95 = vector.shape_cast %reduce_sum3A_87 : vector<128xf32> to vector<1x128xf32>
    %add3A_96 = arith.addf %get3A_94, %broadcast_in_dim3A_95 : vector<1x128xf32>
    %swap3A = arith.constant 0 : index
    %swap3A_97 = arith.constant 0 : index
    %swap3A_98 = vector.load %arg13[%swap3A, %swap3A_97] : memref<1x128xf32, #tpu.memory_space<vmem>>, vector<1x128xf32>
    tpu.vector_store %arg13[%swap3A, %swap3A_97], %add3A_96 {strides = array<i32>} : memref<1x128xf32, #tpu.memory_space<vmem>>, vector<1x128xf32>,
    return
  }
  func.func @transform_0(%arg0: i32) -> (i32, i32) {
    %c0_i32 = arith.constant 0 : i32
    %c0_i32_0 = arith.constant 0 : i32
    return %arg0, %c0_i32 : i32, i32
  }
  func.func @transform_1(%arg0: i32) -> (i32, i32, i32) {
    %c0_i32 = arith.constant 0 : i32
    %c0_i32_0 = arith.constant 0 : i32
    %c0_i32_1 = arith.constant 0 : i32
    return %c0_i32, %arg0, %c0_i32_0 : i32, i32, i32
  }
  func.func @transform_2(%arg0: i32) -> (i32, i32) {
    %c0_i32 = arith.constant 0 : i32
    %c0_i32_0 = arith.constant 0 : i32
    %c0_i32_1 = arith.constant 0 : i32
    return %c0_i32, %c0_i32_0 : i32, i32
  }
  func.func @transform_3(%arg0: i32) -> (i32, i32) {
    %c0_i32 = arith.constant 0 : i32
    %c0_i32_0 = arith.constant 0 : i32
    %c0_i32_1 = arith.constant 0 : i32
    return %c0_i32, %c0_i32_0 : i32, i32
  }
  func.func @transform_4(%arg0: i32) -> (i32, i32) {
    %c0_i32 = arith.constant 0 : i32
    %c0_i32_0 = arith.constant 0 : i32
    %c0_i32_1 = arith.constant 0 : i32
    return %c0_i32, %c0_i32_0 : i32, i32
  }
  func.func @transform_5(%arg0: i32) -> (i32, i32) {
    %c0_i32 = arith.constant 0 : i32
    %c0_i32_0 = arith.constant 0 : i32
    %c0_i32_1 = arith.constant 0 : i32
    return %c0_i32, %c0_i32_0 : i32, i32
  }
  func.func @transform_6(%arg0: i32) -> (i32, i32) {
    %c0_i32 = arith.constant 0 : i32
    %c0_i32_0 = arith.constant 0 : i32
    %c0_i32_1 = arith.constant 0 : i32
    return %c0_i32, %c0_i32_0 : i32, i32
  }
  func.func @transform_7(%arg0: i32) -> (i32, i32) {
    %c0_i32 = arith.constant 0 : i32
    %c0_i32_0 = arith.constant 0 : i32
    %c0_i32_1 = arith.constant 0 : i32
    return %c0_i32, %c0_i32_0 : i32, i32
  }
  func.func @transform_8(%arg0: i32) -> (i32, i32) {
    %c0_i32 = arith.constant 0 : i32
    %c0_i32_0 = arith.constant 0 : i32
    %c0_i32_1 = arith.constant 0 : i32
    return %c0_i32, %c0_i32_0 : i32, i32
  }
  func.func @transform_9(%arg0: i32) -> (i32, i32) {
    %c0_i32 = arith.constant 0 : i32
    %c0_i32_0 = arith.constant 0 : i32
    return %arg0, %c0_i32 : i32, i32
  }
  func.func @transform_10(%arg0: i32) -> (i32, i32) {
    %c0_i32 = arith.constant 0 : i32
    %c0_i32_0 = arith.constant 0 : i32
    return %arg0, %c0_i32 : i32, i32
  }
  func.func @transform_11(%arg0: i32) -> (i32, i32) {
    %c0_i32 = arith.constant 0 : i32
    %c0_i32_0 = arith.constant 0 : i32
    return %arg0, %c0_i32 : i32, i32
  }
  func.func @transform_12(%arg0: i32) -> (i32, i32) {
    %c0_i32 = arith.constant 0 : i32
    %c0_i32_0 = arith.constant 0 : i32
    %c0_i32_1 = arith.constant 0 : i32
    return %c0_i32, %c0_i32_0 : i32, i32
  }
}

</mosaic_0001>

<sc_bundles>
// kernel: kernel.6.cloned.1.call-start
scs
__scs_entry_jumppad:
0x0: {  	(pc) =	sbr.rel $0x88, $3  }
0x1: {  	(tag) =	ssettag $0x0;
	lr =	simm.s32 $0x1  }
0x2: {  	[smem:$0x3F8F] =	sst lr;
	_ =	strace $0xD0000000  }
0x3: {  	_ = 	snop  }
0x4: {  	_ = 	snop  }
0x5: {  	_ = 	snop  }
0x6: {  	_ = 	snop  }
0x7: {  	_ = 	snop  }
__scs_overlays_trampoline_lowered:
0x8: {  	[smem:$0x3F9E] =	sst s0  }
0x9: {  	[smem:$0x3F9F] =	sst s1  }
0xa: {  	[smem:$0x3FA0] =	sst s2  }
0xb: {  	[smem:$0x3FA1] =	sst s3  }
0xc: {  	[smem:$0x3FA2] =	sst s4  }
0xd: {  	[smem:$0x3FA3] =	sst s5  }
0xe: {  	[smem:$0x3FA4] =	sst s6  }
0xf: {  	[smem:$0x3FA5] =	sst s7  }
0x10: {  	[smem:$0x3FA6] =	sst s8  }
0x11: {  	[smem:$0x3FA7] =	sst s9;
	s0 =	simm.s32 @!p0 $0x0  }
0x12: {  	s1 =	sld [smem:$0x3F8D];
	s0 =	simm.s32 @p0 $0x1  }
0x13: {  	[smem:$0x3FA8] =	sst s0;
	s0 =	simm.s32 @!p1 $0x0  }
0x14: {  	s2 =	sld [smem:$0x3F8C];
	s0 =	simm.s32 @p1 $0x1  }
0x15: {  	[smem:$0x3FA9] =	sst s0;
	s0 =	simm.s32 @!p2 $0x0  }
0x16: {  	s3 =	sld [smem:$0x3FDB];
	s0 =	simm.s32 @p2 $0x1  }
0x17: {  	s4 =	simm.s32 $0x1BF5;
	[smem:$0x3FAB] =	sst s0  }
0x18: {  	s0 =	sld [smem:$0x3F8E];
	_ =	swait.ge [sflag:s4], $0x0  }
0x19: {  	s7 =	sld [smem:$0x3F8F]  }
0x1a: {  	s8 =	sadd.s32 $0xFFFFE003, lr  }
0x1b: {  	s9 =	sadd.s32 $0xFFFFFEF7, lr;
	s5 =	simm.s32 $0xFFFFFFFF;
	p2 =	slt.u32 s8, $0xFFFFF086  }
0x1c: {  	p1 =	slt.u32 s9, $0xF7A;
	s5 =	simm.s32 @!p2 $0x0  }
0x1d: {  	s5 =	simm.s32 @p1 $0x1;
	p0 =	seq.s32 s7, s2  }
0x1e: {  	s7 =	smul.u32 @!p0 $0xF7A, s2;
	p2 =	seq.s32 @!p0 s5, $0x0  }
0x1f: {  	s9 =	smul.u32 $0xF7A, s1;
	s8 =	simm.s32 @!p0 $0x1BF5;
	p2 =	por !p2, p0  }
0x20: {  	[sflag:s8] =	ssyncset.s32 @!p0 $0xFFFFF086;
	s6 =	sadd.s32 @!p0 s3, s7;
	s7 =	simm.s32 @!p0 $0x108  }
0x21: {  	s3 =	sadd.s32 s3, s9;
	s6 =	sadd.s32 @!p0 $0x88, s6;
	s7 =	simm.s32 @p2 $0x1082  }
0x22: {  	[simem:s7], [sflag:s8] =	dma.local @!p0 [hbm:s6], $0xF7A  }
0x23: {  	s9 =	sor.u32 $0xD0000000, s2;
	s6 =	simm.s32 $0x108;
	_ =	swait.ge @!p0 [sflag:s8], $0x0  }
0x24: {  	s3 =	sadd.s32 $0x88, s3;
	s6 =	simm.s32 @!p1 $0x1082;
	[sflag:s4] =	ssyncset.s32 $0xFFFFF086  }
0x25: {  	[simem:s6], [sflag:s4] =	dma.local [hbm:s3], $0xF7A  }
0x26: {  	[smem:$0x3F8F] =	sst s1;
	(tag) =	ssettag s2;
	_ =	strace s9  }
0x27: {  	s1 =	sld [smem:$0x3F9F]  }
0x28: {  	s2 =	sld [smem:$0x3FA0]  }
0x29: {  	s4 =	sld [smem:$0x3FA2]  }
0x2a: {  	p0 =	seq.s32 s5, $0x0;
	s5 =	sld [smem:$0x3FA3]  }
0x2b: {  	s6 =	sld [smem:$0x3FA4]  }
0x2c: {  	s7 =	sld [smem:$0x3FA5]  }
0x2d: {  	s3 =	simm.s32 $0x108;
	s8 =	sld [smem:$0x3FA6]  }
0x2e: {  	s3 =	simm.s32 @!p0 $0x1082;
	s9 =	sld [smem:$0x3FA7]  }
0x2f: {  	lr =	sadd.s32 s0, s3;
	s0 =	sld [smem:$0x3F9E]  }
0x30: {  	s3 =	sld [smem:$0x3FA1]  }
0x31: {  	[smem:$0x3FAA] =	sst s10  }
0x32: {  	s10 =	sld [smem:$0x3FA8];
	_ =	sdelay $0x3  }
0x33: {  	p0 =	seq.s32 s10, $0x1;
	s10 =	sld [smem:$0x3FAA];
	_ =	sdelay $0x3  }
0x34: {  	[smem:$0x3FAA] =	sst s10  }
0x35: {  	s10 =	sld [smem:$0x3FA9];
	_ =	sdelay $0x3  }
0x36: {  	p1 =	seq.s32 s10, $0x1;
	s10 =	sld [smem:$0x3FAA];
	_ =	sdelay $0x3  }
0x37: {  	[smem:$0x3FAA] =	sst s10  }
0x38: {  	s10 =	sld [smem:$0x3FAB]  }
0x39: {  	_ = 	snop;
	(pc) =	sbr.ind lr, $3  }
0x3a: {  	_ = 	snop  }
0x3b: {  	_ = 	snop  }
0x3c: {  	p2 =	seq.s32 s10, $0x1;
	s10 =	sld [smem:$0x3FAA]  }
0x3d: {  	_ =	shalt  }
0x3e: {  	_ =	shalt  }
0x3f: {  	_ =	shalt  }
0x40: {  	_ =	shalt  }
0x41: {  	_ =	shalt  }
0x42: {  	_ =	shalt  }
0x43: {  	_ =	shalt  }
0x44: {  	_ =	shalt  }
0x45: {  	_ =	shalt  }
0x46: {  	_ =	shalt  }
0x47: {  	_ =	shalt  }
0x48: {  	_ =	shalt  }
0x49: {  	_ =	shalt  }
0x4a: {  	_ =	shalt  }
0x4b: {  	_ =	shalt  }
0x4c: {  	_ =	shalt  }
0x4d: {  	_ =	shalt  }
0x4e: {  	_ =	shalt  }
0x4f: {  	_ =	shalt  }
0x50: {  	_ =	shalt  }
0x51: {  	_ =	shalt  }
0x52: {  	_ =	shalt  }
0x53: {  	_ =	shalt  }
0x54: {  	_ =	shalt  }
0x55: {  	_ =	shalt  }
0x56: {  	_ =	shalt  }
0x57: {  	_ =	shalt  }
0x58: {  	_ =	shalt  }
0x59: {  	_ =	shalt  }
0x5a: {  	_ =	shalt  }
0x5b: {  	_ =	shalt  }
0x5c: {  	_ =	shalt  }
0x5d: {  	_ =	shalt  }
0x5e: {  	_ =	shalt  }
0x5f: {  	_ =	shalt  }
0x60: {  	_ =	shalt  }
0x61: {  	_ =	shalt  }
0x62: {  	_ =	shalt  }
0x63: {  	_ =	shalt  }
0x64: {  	_ =	shalt  }
0x65: {  	_ =	shalt  }
0x66: {  	_ =	shalt  }
0x67: {  	_ =	shalt  }
0x68: {  	_ =	shalt  }
0x69: {  	_ =	shalt  }
0x6a: {  	_ =	shalt  }
0x6b: {  	_ =	shalt  }
0x6c: {  	_ =	shalt  }
0x6d: {  	_ =	shalt  }
0x6e: {  	_ =	shalt  }
0x6f: {  	_ =	shalt  }
0x70: {  	_ =	shalt  }
0x71: {  	_ =	shalt  }
0x72: {  	_ =	shalt  }
0x73: {  	_ =	shalt  }
0x74: {  	_ =	shalt  }
0x75: {  	_ =	shalt  }
0x76: {  	_ =	shalt  }
0x77: {  	_ =	shalt  }
0x78: {  	_ =	shalt  }
0x79: {  	_ =	shalt  }
0x7a: {  	_ =	shalt  }
0x7b: {  	_ =	shalt  }
0x7c: {  	_ =	shalt  }
0x7d: {  	_ =	shalt  }
0x7e: {  	_ =	shalt  }
0x7f: {  	_ =	shalt  }
0x80: {  	_ =	shalt  }
0x81: {  	_ =	shalt  }
0x82: {  	_ =	shalt  }
0x83: {  	_ =	shalt  }
0x84: {  	_ =	shalt  }
0x85: {  	_ =	shalt  }
0x86: {  	_ =	shalt  }
0x87: {  	_ =	shalt  }
.Lfunc_end0:
.L_simem_size_0:
called_computation_lowered:
.L_overlay_start_0:
0x88: {  	s2 =	sld [smem:$0x3FD9]  }
0x89: {  	s3 =	sld [smem:$0x3FFE];
	_ =	sdelay $0x1  }
0x8a: {  	s1 =	srdreg.scid  }
0x8b: {  	s0 =	sand.u32 $0x1, s1  }
0x8c: {  	s17 =	sshll.u32 s0, $0xA;
	s2 =	sadd.s32 s3, s2  }
0x8d: {  	s2 =	sadd.s32 s2, s17  }
0x8e: {  	[smem:$0x3FB6] =	sst s2  }
0x8f: {  	_ = 	snop  }
0x90: {  	s2 =	sld [smem:$0x3FC7];
	(tm) =	ssettm $0x1  }
0x91: {  	s18 =	sld [smem:$0x3FFB];
	_ =	sdelay $0x3  }
0x92: {  	_ =	strace s18  }
0x93: {  	s3 =	sld [smem:$0x3FFC];
	_ =	sdelay $0x3  }
0x94: {  	_ =	strace s3  }
0x95: {  	s3 =	sld [smem:$0x3FFD];
	_ =	sdelay $0x3  }
0x96: {  	_ =	strace s3  }
0x97: {  	_ =	strace $0x8FFFFFFF  }
0x98: {  	s19 =	sld [smem:$0x3FDB];
	_ =	sdelay $0x1  }
0x99: {  	s4 =	simm.s32 $_scs_section_size  }
0x9a: {  	s5 =	simm.s32 $_size__tile_overlayer_lowered;
	s6 =	simm.s32 $_tile_overlayer_lowered  }
0x9b: {  	s22 =	simm.s32 $0x1BFF;
	s21 =	sshll.u32 s6, $0x1;
	s3 =	sadd.s32 s4, s19  }
0x9c: {  	s7 =	simm.s32 $0x0;
	s20 =	sshll.u32 s5, $0x1;
	s5 =	sadd.s32 s21, s3  }
0x9d: {  	[timem:s7], [sflag:s22] =	dma.local [hbm:s5], s20  }
0x9e: {  	_ =	swait.ge [sflag:s22], s20  }
0x9f: {  	s4 =	ssub.s32 $0x0, s20;
	[sflag:s22] =	ssyncset.done $0x0  }
0xa0: {  	[sflag:s22] =	ssyncadd.s32 s4;
	_ =	sdelay $0x1  }
0xa1: {  	s23 =	simm.s32 $0x1B8B  }
0xa2: {  	_ =	swait.ge [sflag:s23], $0x1  }
0xa3: {  	[sflag:s23] =	ssyncset.done $0x0  }
0xa4: {  	s25 =	simm.s32 $0x1B8E;
	s24 =	sld [smem:$0x3FFE];
	[sflag:s23] =	ssyncadd.s32 $0xFFFFFFFF  }
0xa5: {  	s26 =	simm.s32 $execute0_lowered;
	[smem:$0x3FD2] =	sst s25  }
0xa6: {  	s5 =	sshll.u32 s26, $0x1;
	_ =	strace $0x80000046;
	[dreg:$0x1] =	wrdreg $0xFFFFFFFF  }
0xa7: {  	s28 =	simm.s32 $_size_execute0_lowered;
	s3 =	sadd.s32 s3, s5;
	[dreg:$0x0] =	wrdreg $0x0  }
0xa8: {  	s5 =	sshll.u32 s28, $0x1;
	[dreg:$0x2] =	wrdreg s3  }
0xa9: {  	[dreg:$0x3] =	wrdreg s5  }
0xaa: {  	[dreg:$0x4] =	wrdreg $0xC0  }
0xab: {  	_ =	task [dreg:s7], $0x5FFFF  }
0xac: {  	[dreg:$0x1] =	wrdreg $0xFFFFFFFF  }
0xad: {  	[dreg:$0x0] =	wrdreg $0x60  }
0xae: {  	[dreg:$0x2] =	wrdreg s24  }
0xaf: {  	[dreg:$0x3] =	wrdreg s2  }
0xb0: {  	[dreg:$0x4] =	wrdreg $0x14E600  }
0xb1: {  	[dreg:$0x5] =	wrdreg $0x9  }
0xb2: {  	_ =	task.clear_ibuf [dreg:s7], $0x6FFFF;
	_ =	strace $0x90000046  }
0xb3: {  	s29 =	simm.s32 $0x9;
	_ =	strace $0x80000048  }
0xb4: {  	_ =	swait.ge [sflag:s29], $0x1  }
0xb5: {  	[sflag:s29] =	ssyncadd.s32 $0xFFFFFFFF  }
0xb6: {  	_ =	strace $0x90000048  }
0xb7: {  	_ =	sfence  }
0xb8: {  	s30 =	sld [smem:$0x0];
	_ =	sdelay $0x2  }
0xb9: {  	s31 =	sshll.u32 s1, $0xD;
	s1 =	sshrl.u32 s1, $0x2  }
0xba: {  	s3 =	sand.u32 $0x4000, s31;
	s1 =	sadd.s32 s1, s30  }
0xbb: {  	s0 =	sor.u32 s3, s0;
	s1 =	sshll.u32 s1, $0x11  }
0xbc: {  	s0 =	sor.u32 s1, s0  }
0xbd: {  	s0 =	sadd.s32 $0x8F2B, s0  }
0xbe: {  	[sflag:s0] =	ssyncadd.remote.s32 $0x1  }
0xbf: {  	_ =	sfence.sel $0xFFFF  }
0xc0: {  	[dreg:$0x0] =	wrdreg $0xFFFFFFFF;
	(pc) =	sbr.abs _section_cstart, $3  }
0xc1: {  	[dreg:$0x1] =	wrdreg $0xFFFFFFFF  }
0xc2: {  	_ =	task.clear_ibuf [dreg:s7], $0x2FFFF;
	_ =	strace $0x9FFFFFFF  }
0xc3: {  	(tm) =	ssettm $0x7FFFFFFF  }
tec
execute0_lowered:
.L_overlay_start_1:
0x0: {  	(tag) =	ssettag $0x1  }
0x1: {  	s0 =	rddreg [dreg:$0x0]  }
0x2: {  	s1 =	rddreg [dreg:$0x1]  }
0x3: {  	s2 =	rddreg [dreg:$0x2]  }
0x4: {  	s12 =	stileid.u32;
	s4 =	srdreg.scid  }
0x5: {  	s7 =	simm.s32 $0x0;
	s16 =	simm.s32 $0x50;
	s17 =	simm.s32 $0xEA60  }
0x6: {  	s18 =	simm.s32 $0xF460;
	s28 =	simm.s32 $0x1;
	s29 =	simm.s32 $0x2  }
0x7: {  	s30 =	simm.s32 $0x3;
	s31 =	simm.s32 $0x4;
	s3 =	smul.u32 $0x9C4, s12  }
0x8: {  	s13 =	simm.s32 $0x8;
	s5 =	smul.u32 $0xA000, s12;
	s6 =	sand.u32 $0x1, s4  }
0x9: {  	[smem:$0x7FF] =	sst s7;
	s4 =	sadd.s32 $0x1600, s0;
	s26 =	sshll.u32 s12, $0x6  }
0xa: {  	s12 =	simm.s32 $0x7;
	s19 =	smul.u32 $0xA0000, s6;
	_ =	strace $0x80000047  }
0xb: {  	s9 =	ssub.s32 $0x2, s6;
	s14 =	sor.u32 $0x1C0B, s26;
	s26 =	simm.s32 $0x14460  }
0xc: {  	v0 =	vmov s6;
	s6 =	simm.s32 $0xA;
	s8 =	sadd.s32 s3, s0;
	s10 =	sshrl.u32 s5, $0x4  }
0xd: {  	s11 =	sshrl.u32 s9, $0x1;
	s1 =	sadd.s32 s1, s3;
	s22 =	sshrl.u32 s5, $0x1  }
0xe: {  	s7 =	sadd.s32 s5, s19;
	s10 =	sadd.s32 s10, s0;
	s20 =	ssub.s32 s9, s11  }
0xf: {  	s21 =	sadd.s32 $0x45E00, s8;
	[dreg:$0x5] =	wrdreg s1;
	s23 =	sadd.s32 $0x3C000, s8  }
0x10: {  	s1 =	sadd.s32 s22, s2;
	s11 =	simm.s32 $0xB;
	s19 =	simm.s32 $0xFE60  }
0x11: {  	s22 =	simm.s32 $0x11C60;
	s5 =	simm.s32 $0x9;
	[dreg:$0x4] =	wrdreg s21  }
0x12: {  	s7 =	sshrl.u32 s7, $0x4;
	[dreg:$0x6] =	wrdreg s23;
	s24 =	sadd.s32 $0x4FC00, s10  }
0x13: {  	s25 =	smax.u32 s20, $0x1;
	s15 =	sshrl.u32 s1, $0x3;
	s20 =	simm.s32 $0x10860  }
0x14: {  	s21 =	simm.s32 $0x11260;
	s23 =	simm.s32 $0x12660;
	[dreg:$0x7] =	wrdreg s24  }
0x15: {  	s1 =	simm.s32 $0x6;
	s0 =	sadd.s32 s7, s0;
	[dreg:$0x9] =	wrdreg s25  }
0x16: {  	s24 =	simm.s32 $0x13060;
	s25 =	simm.s32 $0x13A60;
	s0 =	sadd.s32 $0x59C00, s0  }
0x17: {  	s7 =	simm.s32 $0x0;
	[dreg:$0x8] =	wrdreg s0;
	s0 =	simm.s32 $0x5  }
.LBB2_1:
0x18: {  	s3 =	simm.s32 $0x0;
	s8 =	rddreg [dreg:$0x4]  }
0x19: {  	[tilespmem:s3], [sflag:$0xB] =	stream.linear.gather [hbm4b:s8+s3], $0x4E20, $0x38;
	[tilespmem:$0x19E60] =	vst v63  }
0x1a: {  	_ =	swait.ge [sflag:s11], $0x4E20  }
0x1b: {  	[sflag:s11] =	ssyncset.done $0x0  }
0x1c: {  	s9 =	simm.s32 $0x4E20;
	s10 =	rddreg [dreg:$0x5];
	[sflag:s11] =	ssyncadd.s32 $0xFFFFB1E0  }
0x1d: {  	[tilespmem:s9], [sflag:$0xB] =	stream.linear.gather [hbm4b:s10+s3], $0x4E20, $0x38;
	[tilespmem:$0x19E60] =	vst v63  }
0x1e: {  	_ =	swait.ge [sflag:s11], $0x4E20  }
0x1f: {  	[sflag:s11] =	ssyncset.done $0x0  }
0x20: {  	s10 =	simm.s32 $0x9C40;
	s9 =	rddreg [dreg:$0x6];
	[sflag:s11] =	ssyncadd.s32 $0xFFFFB1E0  }
0x21: {  	[tilespmem:s10], [sflag:$0xB] =	stream.linear.gather [hbm4b:s9+s3], $0x4E20, $0x38;
	[tilespmem:$0x19E60] =	vst v63  }
0x22: {  	_ =	swait.ge [sflag:s11], $0x4E20  }
0x23: {  	[sflag:s11] =	ssyncset.done $0x0  }
0x24: {  	s10 =	rddreg [dreg:$0x7];
	[sflag:s11] =	ssyncadd.s32 $0xFFFFB1E0  }
0x25: {  	[spmem:s15], [sflag:s14] =	dma.local [hbm:s10], $0xA00  }
0x26: {  	_ =	swait.ge [sflag:s11], $0xA00  }
0x27: {  	[sflag:s11] =	ssyncset.done $0x0  }
0x28: {  	s8 =	simm.s32 $0x0;
	[sflag:s11] =	ssyncadd.s32 $0xFFFFF600  }
0x29: {  	v1 =	vld [tilespmem:s8+$0x4E20];
	_ =	sdelay $0x1  }
0x2a: {  	v2 =	vld [tilespmem:s8+$0x0];
	_ =	sdelay $0x2  }
0x2b: {  	v1 =	vmul.u32 $0x2710, v1;
	_ =	sdelay $0x1  }
0x2c: {  	v1 =	vadd.s32 v2, v1  }
0x2d: {  	s9 =	simm.s32 $0x10;
	s3 =	simm.s32 $0x80;
	v1 =	vshll.u32 v1, $0x1  }
.LBB2_2:
0x2e: {  	p0 =	sne.s32 s3, $0xC40;
	v2 =	vld [tilespmem:s9+$0x4E20];
	v1 =	vor.u32 v0, v1  }
0x2f: {  	[tilespmem:s8+$0x0] =	vst v1;
	s8 =	smov.u32 s9  }
0x30: {  	v1 =	vld [tilespmem:s8+$0x0];
	_ =	sdelay $0x1  }
.Ltmp0:
0x31: {  	(pc) =	sbr.rel @p0 .LBB2_2-.Ltmp0, $3  }
0x32: {  	v2 =	vmul.u32 $0x2710, v2;
	_ =	sdelay $0x1  }
0x33: {  	v1 =	vadd.s32 v1, v2  }
0x34: {  	s9 =	sshra.s32 s3, $0x2;
	s3 =	sadd.s32 $0x40, s3;
	v1 =	vshll.u32 v1, $0x1  }
0x35: {  	v2 =	vld [tilespmem:s9+$0x4E20];
	v1 =	vor.u32 v0, v1  }
0x36: {  	[tilespmem:s8+$0x0] =	vst v1  }
0x37: {  	v1 =	vld [tilespmem:s9+$0x0];
	_ =	sdelay $0x2  }
0x38: {  	v2 =	vmul.u32 $0x2710, v2;
	_ =	sdelay $0x1  }
0x39: {  	v1 =	vadd.s32 v1, v2  }
0x3a: {  	v1 =	vshll.u32 v1, $0x1  }
0x3b: {  	v1 =	vor.u32 v0, v1  }
0x3c: {  	[tilespmem:s9+$0x0] =	vst v1  }
0x3d: {  	s8 =	simm.s32 $0x0;
	[bflag:$0x0] =	sbarrier.arrive $0xFFFF  }
.LBB2_4:
0x3e: {  	s3 =	smul.u32 $0xC80, s8;
	_ =	sdelay $0x1  }
0x3f: {  	s9 =	sshra.s32 s3, $0x2  }
0x40: {  	[tilespmem:s17], [sflag:$0x1] =	stream.indirect.gather [hbm4b:s4+s16], $0x20, s9, s16, $0xb8;
	[tilespmem:$0x19E60] =	vst v63  }
0x41: {  	s3 =	sadd.s32 $0x50, s9  }
0x42: {  	[tilespmem:s18], [sflag:$0x2] =	stream.indirect.gather [hbm4b:s4+s16], $0x20, s3, s16, $0xb8;
	[tilespmem:$0x19E60] =	vst v63  }
0x43: {  	s10 =	sadd.s32 $0xA0, s9  }
0x44: {  	[tilespmem:s19], [sflag:$0x3] =	stream.indirect.gather [hbm4b:s4+s16], $0x20, s10, s16, $0xb8;
	[tilespmem:$0x19E60] =	vst v63  }
0x45: {  	s10 =	sadd.s32 $0xF0, s9  }
0x46: {  	[tilespmem:s20], [sflag:$0x4] =	stream.indirect.gather [hbm4b:s4+s16], $0x20, s10, s16, $0xb8;
	[tilespmem:$0x19E60] =	vst v63  }
0x47: {  	s10 =	sadd.s32 $0x140, s9  }
0x48: {  	[tilespmem:s21], [sflag:$0x5] =	stream.indirect.gather [hbm4b:s4+s16], $0x20, s10, s16, $0xb8;
	[tilespmem:$0x19E60] =	vst v63  }
0x49: {  	s8 =	sadd.s32 $0x1, s8;
	s10 =	sadd.s32 $0x190, s9  }
0x4a: {  	[tilespmem:s22], [sflag:$0x6] =	stream.indirect.gather [hbm4b:s4+s16], $0x20, s10, s16, $0xb8;
	[tilespmem:$0x19E60] =	vst v63  }
0x4b: {  	p0 =	seq.s32 s8, $0x19;
	s3 =	smul.u32 $0x32, s8;
	s10 =	sadd.s32 $0x1E0, s9  }
0x4c: {  	[tilespmem:s23], [sflag:$0x7] =	stream.indirect.gather [hbm4b:s4+s16], $0x20, s10, s16, $0xb8;
	[tilespmem:$0x19E60] =	vst v63  }
0x4d: {  	s3 =	simm.s32 @p0 $0x0;
	s10 =	sadd.s32 $0x230, s9  }
0x4e: {  	[tilespmem:s24], [sflag:$0x8] =	stream.indirect.gather [hbm4b:s4+s16], $0x20, s10, s16, $0xb8;
	[tilespmem:$0x19E60] =	vst v63  }
0x4f: {  	s3 =	sshll.u32 s3, $0x6;
	s10 =	sadd.s32 $0x280, s9  }
0x50: {  	[tilespmem:s25], [sflag:$0x9] =	stream.indirect.gather [hbm4b:s4+s16], $0x20, s10, s16, $0xb8;
	[tilespmem:$0x19E60] =	vst v63  }
0x51: {  	s3 =	sshra.s32 s3, $0x2;
	s10 =	sadd.s32 $0x2D0, s9  }
0x52: {  	[tilespmem:s26], [sflag:$0xA] =	stream.indirect.gather [hbm4b:s4+s16], $0x20, s10, s16, $0xb8;
	[tilespmem:$0x19E60] =	vst v63  }
0x53: {  	s10 =	sadd.s32 $0x4E20, s3  }
0x54: {  	v2 =	vmov s10;
	_ =	sdelay $0x1  }
0x55: {  	v1 =	vmov s3;
	_ =	sdelay $0x1  }
0x56: {  	s3 =	simm.s32 $0x40;
	s10 =	simm.s32 $0x0  }
.LBB2_5:
0x57: {  	p0 =	sne.s32 s3, $0xC40;
	v3 =	vld.idx.msk [tilespmem:v2+s10+$0x0 ss:$0x1], $0xffff;
	_ =	sdelay $0x1  }
0x58: {  	v4 =	vld.idx.msk [tilespmem:v1+s10+$0x0 ss:$0x1], $0xffff;
	_ =	sdelay $0x3  }
0x59: {  	v3 =	vmul.u32 $0x2710, v3  }
.Ltmp1:
0x5a: {  	(pc) =	sbr.rel @p0 .LBB2_5-.Ltmp1, $4  }
0x5b: {  	v3 =	vadd.s32 v4, v3  }
0x5c: {  	v3 =	vshll.u32 v3, $0x1  }
0x5d: {  	v3 =	vor.u32 v0, v3  }
0x5e: {  	[tilespmem:v1+s10+$0x0 ss:$0x1] =	vst.idx.msk $0xffff, v3;
	s10 =	sshra.s32 s3, $0x2;
	s3 =	sadd.s32 $0x40, s3  }
0x5f: {  	_ =	sdelay $0x3  }
0x60: {  	v2 =	vld.idx.msk [tilespmem:v2+s10+$0x0 ss:$0x1], $0xffff;
	_ =	sdelay $0x1  }
0x61: {  	v3 =	vld.idx.msk [tilespmem:v1+s10+$0x0 ss:$0x1], $0xffff;
	_ =	sdelay $0x2  }
0x62: {  	v2 =	vmul.u32 $0x2710, v2;
	_ =	sdelay $0x1  }
0x63: {  	v2 =	vadd.s32 v3, v2  }
0x64: {  	v2 =	vshll.u32 v2, $0x1  }
0x65: {  	v2 =	vor.u32 v0, v2  }
0x66: {  	[tilespmem:v1+s10+$0x0 ss:$0x1] =	vst.idx.msk $0xffff, v2  }
0x67: {  	_ =	swait.ge [sflag:s28], $0xA00  }
0x68: {  	[sflag:s28] =	ssyncset.done $0x0  }
0x69: {  	s3 =	sadd.s32 $0x9C40, s9;
	[sflag:s28] =	ssyncadd.s32 $0xFFFFF600  }
0x6a: {  	[spmem:s2] =	stream.indirect.scatter.add.s16 [tilespmem:s17], [sflag:$0xB], $0x20, s3, s16, $0xb8;
	[tilespmem:$0x19E60] =	vst v63  }
0x6b: {  	_ =	swait.ge [sflag:s11], $0xA00  }
0x6c: {  	[sflag:s11] =	ssyncset.done $0x0  }
0x6d: {  	[sflag:s11] =	ssyncadd.s32 $0xFFFFF600  }
0x6e: {  	_ =	swait.ge [sflag:s29], $0xA00  }
0x6f: {  	[sflag:s29] =	ssyncset.done $0x0  }
0x70: {  	s10 =	sadd.s32 $0x9C90, s9;
	[sflag:s29] =	ssyncadd.s32 $0xFFFFF600  }
0x71: {  	[spmem:s2] =	stream.indirect.scatter.add.s16 [tilespmem:s18], [sflag:$0xB], $0x20, s10, s16, $0xb8;
	[tilespmem:$0x19E60] =	vst v63  }
0x72: {  	_ =	swait.ge [sflag:s11], $0xA00  }
0x73: {  	[sflag:s11] =	ssyncset.done $0x0  }
0x74: {  	[sflag:s11] =	ssyncadd.s32 $0xFFFFF600  }
0x75: {  	_ =	swait.ge [sflag:s30], $0xA00  }
0x76: {  	[sflag:s30] =	ssyncset.done $0x0  }
0x77: {  	s10 =	sadd.s32 $0x9CE0, s9;
	[sflag:s30] =	ssyncadd.s32 $0xFFFFF600  }
0x78: {  	[spmem:s2] =	stream.indirect.scatter.add.s16 [tilespmem:s19], [sflag:$0xB], $0x20, s10, s16, $0xb8;
	[tilespmem:$0x19E60] =	vst v63  }
0x79: {  	_ =	swait.ge [sflag:s11], $0xA00  }
0x7a: {  	[sflag:s11] =	ssyncset.done $0x0  }
0x7b: {  	[sflag:s11] =	ssyncadd.s32 $0xFFFFF600  }
0x7c: {  	_ =	swait.ge [sflag:s31], $0xA00  }
0x7d: {  	[sflag:s31] =	ssyncset.done $0x0  }
0x7e: {  	s10 =	sadd.s32 $0x9D30, s9;
	[sflag:s31] =	ssyncadd.s32 $0xFFFFF600  }
0x7f: {  	[spmem:s2] =	stream.indirect.scatter.add.s16 [tilespmem:s20], [sflag:$0xB], $0x20, s10, s16, $0xb8;
	[tilespmem:$0x19E60] =	vst v63  }
0x80: {  	_ =	swait.ge [sflag:s11], $0xA00  }
0x81: {  	[sflag:s11] =	ssyncset.done $0x0  }
0x82: {  	[sflag:s11] =	ssyncadd.s32 $0xFFFFF600  }
0x83: {  	_ =	swait.ge [sflag:s0], $0xA00  }
0x84: {  	[sflag:s0] =	ssyncset.done $0x0  }
0x85: {  	s10 =	sadd.s32 $0x9D80, s9;
	[sflag:s0] =	ssyncadd.s32 $0xFFFFF600  }
0x86: {  	[spmem:s2] =	stream.indirect.scatter.add.s16 [tilespmem:s21], [sflag:$0xB], $0x20, s10, s16, $0xb8;
	[tilespmem:$0x19E60] =	vst v63  }
0x87: {  	_ =	swait.ge [sflag:s11], $0xA00  }
0x88: {  	[sflag:s11] =	ssyncset.done $0x0  }
0x89: {  	[sflag:s11] =	ssyncadd.s32 $0xFFFFF600  }
0x8a: {  	_ =	swait.ge [sflag:s1], $0xA00  }
0x8b: {  	[sflag:s1] =	ssyncset.done $0x0  }
0x8c: {  	s10 =	sadd.s32 $0x9DD0, s9;
	[sflag:s1] =	ssyncadd.s32 $0xFFFFF600  }
0x8d: {  	[spmem:s2] =	stream.indirect.scatter.add.s16 [tilespmem:s22], [sflag:$0xB], $0x20, s10, s16, $0xb8;
	[tilespmem:$0x19E60] =	vst v63  }
0x8e: {  	_ =	swait.ge [sflag:s11], $0xA00  }
0x8f: {  	[sflag:s11] =	ssyncset.done $0x0  }
0x90: {  	[sflag:s11] =	ssyncadd.s32 $0xFFFFF600  }
0x91: {  	_ =	swait.ge [sflag:s12], $0xA00  }
0x92: {  	[sflag:s12] =	ssyncset.done $0x0  }
0x93: {  	s10 =	sadd.s32 $0x9E20, s9;
	[sflag:s12] =	ssyncadd.s32 $0xFFFFF600  }
0x94: {  	[spmem:s2] =	stream.indirect.scatter.add.s16 [tilespmem:s23], [sflag:$0xB], $0x20, s10, s16, $0xb8;
	[tilespmem:$0x19E60] =	vst v63  }
0x95: {  	_ =	swait.ge [sflag:s11], $0xA00  }
0x96: {  	[sflag:s11] =	ssyncset.done $0x0  }
0x97: {  	[sflag:s11] =	ssyncadd.s32 $0xFFFFF600  }
0x98: {  	_ =	swait.ge [sflag:s13], $0xA00  }
0x99: {  	[sflag:s13] =	ssyncset.done $0x0  }
0x9a: {  	s10 =	sadd.s32 $0x9E70, s9;
	[sflag:s13] =	ssyncadd.s32 $0xFFFFF600  }
0x9b: {  	[spmem:s2] =	stream.indirect.scatter.add.s16 [tilespmem:s24], [sflag:$0xB], $0x20, s10, s16, $0xb8;
	[tilespmem:$0x19E60] =	vst v63  }
0x9c: {  	_ =	swait.ge [sflag:s11], $0xA00  }
0x9d: {  	[sflag:s11] =	ssyncset.done $0x0  }
0x9e: {  	[sflag:s11] =	ssyncadd.s32 $0xFFFFF600  }
0x9f: {  	_ =	swait.ge [sflag:s5], $0xA00  }
0xa0: {  	[sflag:s5] =	ssyncset.done $0x0  }
0xa1: {  	s10 =	sadd.s32 $0x9EC0, s9;
	[sflag:s5] =	ssyncadd.s32 $0xFFFFF600  }
0xa2: {  	[spmem:s2] =	stream.indirect.scatter.add.s16 [tilespmem:s25], [sflag:$0xB], $0x20, s10, s16, $0xb8;
	[tilespmem:$0x19E60] =	vst v63  }
0xa3: {  	_ =	swait.ge [sflag:s11], $0xA00  }
0xa4: {  	[sflag:s11] =	ssyncset.done $0x0  }
0xa5: {  	[sflag:s11] =	ssyncadd.s32 $0xFFFFF600  }
0xa6: {  	_ =	swait.ge [sflag:s6], $0xA00  }
0xa7: {  	p0 =	sne.s32 s8, $0x19;
	[sflag:s6] =	ssyncset.done $0x0  }
.Ltmp2:
0xa8: {  	s10 =	sadd.s32 $0x9F10, s9;
	[sflag:s6] =	ssyncadd.s32 $0xFFFFF600;
	(pc) =	sbr.rel @p0 .LBB2_4-.Ltmp2, $4  }
0xa9: {  	[spmem:s2] =	stream.indirect.scatter.add.s16 [tilespmem:s26], [sflag:$0xB], $0x20, s10, s16, $0xb8;
	[tilespmem:$0x19E60] =	vst v63  }
0xaa: {  	_ =	swait.ge [sflag:s11], $0xA00  }
0xab: {  	[sflag:s11] =	ssyncset.done $0x0  }
0xac: {  	[sflag:s11] =	ssyncadd.s32 $0xFFFFF600  }
0xad: {  	[bflag:$0x0] =	sbarrier.arrive $0xFFFF  }
0xae: {  	s3 =	rddreg [dreg:$0x8]  }
0xaf: {  	[hbm:s3], [sflag:s14] =	dma.local [spmem:s15], $0xA00  }
0xb0: {  	_ =	swait.ge [sflag:s11], $0xA00  }
0xb1: {  	s7 =	sadd.s32 $0x1, s7;
	s10 =	rddreg [dreg:$0x9]  }
0xb2: {  	p0 =	sne.s32 s7, s10  }
.Ltmp3:
0xb3: {  	_ = 	snop;
	(pc) =	sbr.rel @p0 .LBB2_1-.Ltmp3, $3  }
0xb4: {  	_ =	sdelay $0x1  }
0xb5: {  	[sflag:s11] =	ssyncset.done $0x0  }
0xb6: {  	[sflag:s11] =	ssyncadd.s32 $0xFFFFF600  }
0xb7: {  	_ =	sfence.sel $0x180000  }
0xb8: {  	[bflag:$0x0] =	sbarrier.arrive $0xFFFF  }
0xb9: {  	_ =	strace $0x90000047  }
0xba: {  	s0 =	stileid.u32;
	[bflag:$0x2] =	sbarrier.arrive $0xFFFF  }
0xbb: {  	p0 =	sne.s32 s0, $0x0;
	s0 =	rddreg [dreg:$0x3]  }
0xbc: {  	s0 =	sadd.s32 @!p0 $0x100000, s0  }
0xbd: {  	[sflag:s0] =	ssyncadd.tile.s32 @!p0 $0x1;
	_ =	shalt  }
.Lfunc_end2:
_tile_overlayer_lowered:
.L_overlay_start_2:
0xbe: {  	(tag) =	ssettag $0x2  }
0xbf: {  	s0 =	rddreg [dreg:$0x0];
	s2 =	stileid.u32  }
0xc0: {  	s1 =	rddreg [dreg:$0x1];
	p0 =	sne.s32 s2, $0x0  }
0xc1: {  	s3 =	rddreg [dreg:$0x2];
	[bflag:$0x3] =	sbarrier.arrive $0xFFFF;
	s2 =	simm.s32 @!p0 $0x1C0B  }
0xc2: {  	[timem:s3], [sflag:s2] =	dma.local @!p0 [hbm:s0], s1  }
0xc3: {  	s0 =	simm.s32 @!p0 $0xB  }
0xc4: {  	_ =	swait.ge @!p0 [sflag:s0], s1  }
0xc5: {  	s1 =	ssub.s32 @!p0 $0x0, s1;
	[sflag:s0] =	ssyncset.done @!p0 $0x0  }
0xc6: {  	[sflag:s0] =	ssyncadd.s32 @!p0 s1  }
0xc7: {  	[bflag:$0x3] =	sbarrier.arrive $0xFFFF  }
0xc8: {  	_ =	shalt  }

</sc_bundles>
